<compile_context>
chip_gen: v7x
topology: tpu7x:2x2x1
jax: 0.10.2.dev20260603
libtpu: 0.0.44.dev20260713+nightly
codegen_flags: <defaults>
</compile_context>

<pallas_src>
import functools

import jax
import jax.numpy as jnp
from jax import lax
from jax.experimental import pallas as pl
from jax.experimental.pallas import tpu as pltpu
from jax.experimental.pallas import tpu_sc as plsc

D = 64
DP = 128
SEQ = 200
BATCH = 4096


def _make_kernel(num_workers):
    blk = BATCH // num_workers
    mesh = plsc.VectorSubcoreMesh(core_axis_name="c", subcore_axis_name="s")

    @functools.partial(
        pl.kernel,
        out_type=jax.ShapeDtypeStruct((SEQ, D, BATCH), jnp.float32),
        mesh=mesh,
        scratch_types=[
            pltpu.VMEM((blk * SEQ,), jnp.int32),
            pltpu.VMEM((SEQ, DP), jnp.float32),
            pltpu.VMEM((blk,), jnp.int32),
            pltpu.VMEM((blk,), jnp.int32),
            pltpu.VMEM((blk, DP), jnp.float32),
            pltpu.VMEM((blk, DP), jnp.float32),
            pltpu.VMEM((D, blk), jnp.float32),
            pltpu.VMEM((D, blk), jnp.float32),
            pltpu.SemaphoreType.DMA,
            pltpu.SemaphoreType.DMA,
            pltpu.SemaphoreType.DMA,
            pltpu.SemaphoreType.DMA,
        ],
        compiler_params=pltpu.CompilerParams(
            use_tc_tiling_on_sc=True, needs_layout_passes=False),
    )
    def body(idx_hbm, tbl_hbm, pos_hbm, out_hbm, idxb, pos_v,
             col0, col1, tok0, tok1, tr0, tr1, gs0, gs1, ws0, ws1):
        nc = 2
        wid = lax.axis_index("s") * nc + lax.axis_index("c")
        b0 = wid * blk
        pltpu.sync_copy(idx_hbm.at[pl.ds(b0 * SEQ, blk * SEQ)], idxb)
        pltpu.sync_copy(pos_hbm, pos_v)

        lane = jnp.arange(16, dtype=jnp.int32)
        bs200 = [lane * SEQ + g * 16 * SEQ for g in range(blk // 16)]
        bvec = [lane + g * 16 for g in range(blk // 16)]

        def extract_col(s, col):
            sv = jnp.full((16,), s, jnp.int32)
            for g in range(blk // 16):
                col[pl.ds(g * 16, 16)] = plsc.load_gather(
                    idxb, [bs200[g] + sv])

        def start_gather(col, tok, sem):
            pltpu.async_copy(tbl_hbm.at[col], tok, sem)

        def wait_gather(col, tok, sem):
            pltpu.make_async_copy(tbl_hbm.at[col], tok, sem).wait()

        def out_slice(s):
            return out_hbm.at[s, :, pl.ds(b0, blk)]

        fvecs = [lane + j * 16 for j in range(D // 16)]

        def transpose_add(s, tok, tr):
            sv = jnp.full((16,), s, jnp.int32)

            @plsc.parallel_loop(0, D, unroll=4)
            def fbody(f):
                fv = jnp.full((16,), f, jnp.int32)
                pvf = plsc.load_gather(pos_v, [sv, fv])
                for g in range(blk // 16):
                    x = plsc.load_gather(tok, [bvec[g], fv])
                    tr[f, pl.ds(g * 16, 16)] = x + pvf

        extract_col(0, col0)
        start_gather(col0, tok0, gs0)

        bufs = ((col0, tok0, tr0, gs0, ws0), (col1, tok1, tr1, gs1, ws1))

        def step(j, carry):
            for b in range(2):
                s = 2 * j + b
                col, tok, tr, gs, ws = bufs[b]
                ncol, ntok, _, ngs, _ = bufs[1 - b]
                nxt_ok = (s + 1 < SEQ) if b == 0 else None
                if b == 0:
                    extract_col(s + 1, ncol)
                    start_gather(ncol, ntok, ngs)
                else:
                    @pl.when(j < SEQ // 2 - 1)
                    def _():
                        extract_col(s + 1, ncol)
                        start_gather(ncol, ntok, ngs)
                wait_gather(col, tok, gs)

                @pl.when(j >= 1)
                def _():
                    pltpu.make_async_copy(tr, out_slice(s), ws).wait()

                transpose_add(s, tok, tr)
                pltpu.async_copy(tr, out_slice(s), ws)
            return carry

        lax.fori_loop(0, SEQ // 2, step, 0)
        pltpu.make_async_copy(tr0, out_slice(0), ws0).wait()
        pltpu.make_async_copy(tr1, out_slice(1), ws1).wait()

    return body


def kernel(inputs, token_table, pos_table):
    idx_flat = inputs.reshape(-1).astype(jnp.int32)
    tblp = jnp.pad(token_table, ((0, 0), (0, DP - D)))
    posp = jnp.pad(pos_table, ((0, 0), (0, DP - D)))
    info = plsc.get_sparse_core_info()
    nw = info.num_cores * info.num_subcores
    out_t = _make_kernel(nw)(idx_flat, tblp, posp)
    return out_t.transpose(2, 0, 1)

# --- scband reference (transcript-rebuilt; emitter-appended) ---
"""Pipeline reference for scband-embed-18064632447326 (READ-ONLY COPY).

The authoritative reference and input builder live on the scoring server;
editing this copy changes nothing except your own understanding.
"""

import jax, jax.numpy as jnp
import numpy as np

NUM_EMBEDDINGS = 1000000
FEATURES = 64
MAX_LEN = 200
BATCH = 4096
SEQ_LEN = 200


def _xavier_uniform(key, shape, dtype=jnp.float32):
    fan_in, fan_out = shape[0], shape[1]
    limit = jnp.sqrt(6.0 / (fan_in + fan_out))
    return jax.random.uniform(key, shape, dtype, minval=-limit, maxval=limit)


def setup_inputs(seed: int = 0) -> dict:
    key = jax.random.key(seed)
    k_idx, k_tok, k_pos = jax.random.split(key, 3)
    inputs = jax.random.randint(k_idx, (BATCH, SEQ_LEN), 0, NUM_EMBEDDINGS, dtype=jnp.int64 if jax.config.jax_enable_x64 else jnp.int32)
    token_table = _xavier_uniform(k_tok, (NUM_EMBEDDINGS, FEATURES))
    pos_table = _xavier_uniform(k_pos, (MAX_LEN, FEATURES))
    return {"inputs": inputs, "token_table": token_table, "pos_table": pos_table}


def reference(inputs, token_table, pos_table):
    # token embedding lookup: (batch, seq_len, features)
    token_emb = jnp.take(token_table, inputs, axis=0)
    if inputs.ndim == 1:
        seq_len = inputs.shape[0]
    else:
        seq_len = inputs.shape[1]
    positions = jnp.arange(seq_len)
    pos_emb = jnp.take(pos_table, positions, axis=0)
    x = token_emb + pos_emb
    return x

if __name__ == "__main__":
    import jax
    _d = setup_inputs()
    print(jax.jit(kernel)(*tuple(_d.values())))

</pallas_src>

<mosaic_0001>
#map = affine_map<(d0, d1) -> (0)>
#map1 = affine_map<(d0, d1) -> (0, 0)>
#map2 = affine_map<(d0, d1) -> (0, 0, 0)>
module attributes {stable_mosaic.version = 14 : i64} {
  func.func @body(%arg0: i32, %arg1: i32, %arg2: memref<819200xi32, #tpu.memory_space<hbm>>, %arg3: memref<1000000x128xf32, #tpu.memory_space<hbm>>, %arg4: memref<200x128xf32, #tpu.memory_space<hbm>>, %arg5: memref<200x64x4096xf32, #tpu.memory_space<hbm>>, %arg6: memref<25600xi32, #tpu.memory_space<vmem>>, %arg7: memref<200x128xf32, #tpu.memory_space<vmem>>, %arg8: memref<128xi32, #tpu.memory_space<vmem>>, %arg9: memref<128xi32, #tpu.memory_space<vmem>>, %arg10: memref<128x128xf32, #tpu.memory_space<vmem>>, %arg11: memref<128x128xf32, #tpu.memory_space<vmem>>, %arg12: memref<64x128xf32, #tpu.memory_space<vmem>>, %arg13: memref<64x128xf32, #tpu.memory_space<vmem>>, %arg14: memref<!tpu.dma_semaphore, #tpu.memory_space<semaphore_mem>>, %arg15: memref<!tpu.dma_semaphore, #tpu.memory_space<semaphore_mem>>, %arg16: memref<!tpu.dma_semaphore, #tpu.memory_space<semaphore_mem>>, %arg17: memref<!tpu.dma_semaphore, #tpu.memory_space<semaphore_mem>>) attributes {dimension_semantics = [#tpu.dimension_semantics<core_parallel>, #tpu.dimension_semantics<subcore_parallel>], iteration_bounds = array<i64: 2, 16>, scalar_prefetch = 0 : i64, scratch_operands = 12 : i64, tpu.core_type = #tpu.core_type<sc_vector_subcore>, window_params = [{transform_indices = #map}, {transform_indices = #map1}, {transform_indices = #map1}, {transform_indices = #map2}]} {
    %mul3A = arith.constant 2 : i32
    %mul3A_0 = arith.muli %arg1, %mul3A : i32
    %add3A = arith.addi %mul3A_0, %arg0 : i32
    %mul3A_1 = arith.constant 128 : i32
    %mul3A_2 = arith.muli %add3A, %mul3A_1 : i32
    %mul3A_3 = arith.constant 200 : i32
    %mul3A_4 = arith.muli %mul3A_2, %mul3A_3 : i32
    "tpu.region"() ({
      %run_scoped3A = tpu.sem_alloc : memref<!tpu.dma_semaphore, #tpu.memory_space<semaphore_mem>>
      %dma_start3A_140 = tpu.memref_slice %arg2[%mul3A_4] : memref<819200xi32, #tpu.memory_space<hbm>> -> memref<25600xi32, #tpu.memory_space<hbm>>
      %dma_start3A_141 = tpu.memref_slice %arg2[%mul3A_4] : memref<819200xi32, #tpu.memory_space<hbm>> -> memref<25600xi32, #tpu.memory_space<hbm>>
      tpu.enqueue_dma source(%dma_start3A_141 : memref<25600xi32, #tpu.memory_space<hbm>>) target(%arg6 : memref<25600xi32, #tpu.memory_space<vmem>>) target_semaphore(%run_scoped3A : memref<!tpu.dma_semaphore, #tpu.memory_space<semaphore_mem>>)
      %dma_wait3A_142 = tpu.memref_slice %arg2[%mul3A_4] : memref<819200xi32, #tpu.memory_space<hbm>> -> memref<25600xi32, #tpu.memory_space<hbm>>
      %dma_wait3A_143 = tpu.memref_slice %arg2[%mul3A_4] : memref<819200xi32, #tpu.memory_space<hbm>> -> memref<25600xi32, #tpu.memory_space<hbm>>
      tpu.wait_dma2 semaphore(%run_scoped3A : memref<!tpu.dma_semaphore, #tpu.memory_space<semaphore_mem>>) src(%dma_wait3A_143 : memref<25600xi32, #tpu.memory_space<hbm>>) dst(%arg6 : memref<25600xi32, #tpu.memory_space<vmem>>)
      tpu.yield
    }) : () -> ()
    "tpu.region"() ({
      %run_scoped3A = tpu.sem_alloc : memref<!tpu.dma_semaphore, #tpu.memory_space<semaphore_mem>>
      tpu.enqueue_dma source(%arg4 : memref<200x128xf32, #tpu.memory_space<hbm>>) target(%arg7 : memref<200x128xf32, #tpu.memory_space<vmem>>) target_semaphore(%run_scoped3A : memref<!tpu.dma_semaphore, #tpu.memory_space<semaphore_mem>>)
      tpu.wait_dma2 semaphore(%run_scoped3A : memref<!tpu.dma_semaphore, #tpu.memory_space<semaphore_mem>>) src(%arg4 : memref<200x128xf32, #tpu.memory_space<hbm>>) dst(%arg7 : memref<200x128xf32, #tpu.memory_space<vmem>>)
      tpu.yield
    }) : () -> ()
    %iota3A = tpu.iota {dimensions = array<i32: 0>} : vector<16xi32>
    %mul3A_5 = arith.constant 200 : i32
    %mul3A_6 = vector.broadcast %mul3A_5 : i32 to vector<16xi32>
    %mul3A_7 = arith.muli %iota3A, %mul3A_6 : vector<16xi32>
    %add3A_8 = arith.constant 0 : i32
    %add3A_9 = vector.broadcast %add3A_8 : i32 to vector<16xi32>
    %add3A_10 = arith.addi %mul3A_7, %add3A_9 : vector<16xi32>
    %mul3A_11 = arith.constant 200 : i32
    %mul3A_12 = vector.broadcast %mul3A_11 : i32 to vector<16xi32>
    %mul3A_13 = arith.muli %iota3A, %mul3A_12 : vector<16xi32>
    %add3A_14 = arith.constant 3200 : i32
    %add3A_15 = vector.broadcast %add3A_14 : i32 to vector<16xi32>
    %add3A_16 = arith.addi %mul3A_13, %add3A_15 : vector<16xi32>
    %mul3A_17 = arith.constant 200 : i32
    %mul3A_18 = vector.broadcast %mul3A_17 : i32 to vector<16xi32>
    %mul3A_19 = arith.muli %iota3A, %mul3A_18 : vector<16xi32>
    %add3A_20 = arith.constant 6400 : i32
    %add3A_21 = vector.broadcast %add3A_20 : i32 to vector<16xi32>
    %add3A_22 = arith.addi %mul3A_19, %add3A_21 : vector<16xi32>
    %mul3A_23 = arith.constant 200 : i32
    %mul3A_24 = vector.broadcast %mul3A_23 : i32 to vector<16xi32>
    %mul3A_25 = arith.muli %iota3A, %mul3A_24 : vector<16xi32>
    %add3A_26 = arith.constant 9600 : i32
    %add3A_27 = vector.broadcast %add3A_26 : i32 to vector<16xi32>
    %add3A_28 = arith.addi %mul3A_25, %add3A_27 : vector<16xi32>
    %mul3A_29 = arith.constant 200 : i32
    %mul3A_30 = vector.broadcast %mul3A_29 : i32 to vector<16xi32>
    %mul3A_31 = arith.muli %iota3A, %mul3A_30 : vector<16xi32>
    %add3A_32 = arith.constant 12800 : i32
    %add3A_33 = vector.broadcast %add3A_32 : i32 to vector<16xi32>
    %add3A_34 = arith.addi %mul3A_31, %add3A_33 : vector<16xi32>
    %mul3A_35 = arith.constant 200 : i32
    %mul3A_36 = vector.broadcast %mul3A_35 : i32 to vector<16xi32>
    %mul3A_37 = arith.muli %iota3A, %mul3A_36 : vector<16xi32>
    %add3A_38 = arith.constant 16000 : i32
    %add3A_39 = vector.broadcast %add3A_38 : i32 to vector<16xi32>
    %add3A_40 = arith.addi %mul3A_37, %add3A_39 : vector<16xi32>
    %mul3A_41 = arith.constant 200 : i32
    %mul3A_42 = vector.broadcast %mul3A_41 : i32 to vector<16xi32>
    %mul3A_43 = arith.muli %iota3A, %mul3A_42 : vector<16xi32>
    %add3A_44 = arith.constant 19200 : i32
    %add3A_45 = vector.broadcast %add3A_44 : i32 to vector<16xi32>
    %add3A_46 = arith.addi %mul3A_43, %add3A_45 : vector<16xi32>
    %mul3A_47 = arith.constant 200 : i32
    %mul3A_48 = vector.broadcast %mul3A_47 : i32 to vector<16xi32>
    %mul3A_49 = arith.muli %iota3A, %mul3A_48 : vector<16xi32>
    %add3A_50 = arith.constant 22400 : i32
    %add3A_51 = vector.broadcast %add3A_50 : i32 to vector<16xi32>
    %add3A_52 = arith.addi %mul3A_49, %add3A_51 : vector<16xi32>
    %add3A_53 = arith.constant 0 : i32
    %add3A_54 = vector.broadcast %add3A_53 : i32 to vector<16xi32>
    %add3A_55 = arith.addi %iota3A, %add3A_54 : vector<16xi32>
    %add3A_56 = arith.constant 16 : i32
    %add3A_57 = vector.broadcast %add3A_56 : i32 to vector<16xi32>
    %add3A_58 = arith.addi %iota3A, %add3A_57 : vector<16xi32>
    %add3A_59 = arith.constant 32 : i32
    %add3A_60 = vector.broadcast %add3A_59 : i32 to vector<16xi32>
    %add3A_61 = arith.addi %iota3A, %add3A_60 : vector<16xi32>
    %add3A_62 = arith.constant 48 : i32
    %add3A_63 = vector.broadcast %add3A_62 : i32 to vector<16xi32>
    %add3A_64 = arith.addi %iota3A, %add3A_63 : vector<16xi32>
    %add3A_65 = arith.constant 64 : i32
    %add3A_66 = vector.broadcast %add3A_65 : i32 to vector<16xi32>
    %add3A_67 = arith.addi %iota3A, %add3A_66 : vector<16xi32>
    %add3A_68 = arith.constant 80 : i32
    %add3A_69 = vector.broadcast %add3A_68 : i32 to vector<16xi32>
    %add3A_70 = arith.addi %iota3A, %add3A_69 : vector<16xi32>
    %add3A_71 = arith.constant 96 : i32
    %add3A_72 = vector.broadcast %add3A_71 : i32 to vector<16xi32>
    %add3A_73 = arith.addi %iota3A, %add3A_72 : vector<16xi32>
    %add3A_74 = arith.constant 112 : i32
    %add3A_75 = vector.broadcast %add3A_74 : i32 to vector<16xi32>
    %add3A_76 = arith.addi %iota3A, %add3A_75 : vector<16xi32>
    %add3A_77 = arith.constant 0 : i32
    %add3A_78 = vector.broadcast %add3A_77 : i32 to vector<16xi32>
    %add3A_79 = arith.addi %iota3A, %add3A_78 : vector<16xi32>
    %add3A_80 = arith.constant 16 : i32
    %add3A_81 = vector.broadcast %add3A_80 : i32 to vector<16xi32>
    %add3A_82 = arith.addi %iota3A, %add3A_81 : vector<16xi32>
    %add3A_83 = arith.constant 32 : i32
    %add3A_84 = vector.broadcast %add3A_83 : i32 to vector<16xi32>
    %add3A_85 = arith.addi %iota3A, %add3A_84 : vector<16xi32>
    %add3A_86 = arith.constant 48 : i32
    %add3A_87 = vector.broadcast %add3A_86 : i32 to vector<16xi32>
    %add3A_88 = arith.addi %iota3A, %add3A_87 : vector<16xi32>
    %broadcast_in_dim3A = arith.constant 0 : i32
    %broadcast_in_dim3A_89 = vector.broadcast %broadcast_in_dim3A : i32 to vector<16xi32>
    %add3A_90 = arith.addi %add3A_10, %broadcast_in_dim3A_89 : vector<16xi32>
    %gather3A = tpu.vector_load_idx %arg6[%add3A_90] : memref<25600xi32, #tpu.memory_space<vmem>>[vector<16xi32>], vector<16xi32>,
    %swap3A = arith.constant 0 : index
    %swap3A_91 = tpu.vector_load %arg8[%swap3A] {strides = array<i32>} : memref<128xi32, #tpu.memory_space<vmem>>, vector<16xi32>,
    tpu.vector_store %arg8[%swap3A], %gather3A {strides = array<i32>} : memref<128xi32, #tpu.memory_space<vmem>>, vector<16xi32>,
    %add3A_92 = arith.addi %add3A_16, %broadcast_in_dim3A_89 : vector<16xi32>
    %gather3A_93 = tpu.vector_load_idx %arg6[%add3A_92] : memref<25600xi32, #tpu.memory_space<vmem>>[vector<16xi32>], vector<16xi32>,
    %swap3A_94 = arith.constant 16 : index
    %swap3A_95 = tpu.vector_load %arg8[%swap3A_94] {strides = array<i32>} : memref<128xi32, #tpu.memory_space<vmem>>, vector<16xi32>,
    tpu.vector_store %arg8[%swap3A_94], %gather3A_93 {strides = array<i32>} : memref<128xi32, #tpu.memory_space<vmem>>, vector<16xi32>,
    %add3A_96 = arith.addi %add3A_22, %broadcast_in_dim3A_89 : vector<16xi32>
    %gather3A_97 = tpu.vector_load_idx %arg6[%add3A_96] : memref<25600xi32, #tpu.memory_space<vmem>>[vector<16xi32>], vector<16xi32>,
    %swap3A_98 = arith.constant 32 : index
    %swap3A_99 = tpu.vector_load %arg8[%swap3A_98] {strides = array<i32>} : memref<128xi32, #tpu.memory_space<vmem>>, vector<16xi32>,
    tpu.vector_store %arg8[%swap3A_98], %gather3A_97 {strides = array<i32>} : memref<128xi32, #tpu.memory_space<vmem>>, vector<16xi32>,
    %add3A_100 = arith.addi %add3A_28, %broadcast_in_dim3A_89 : vector<16xi32>
    %gather3A_101 = tpu.vector_load_idx %arg6[%add3A_100] : memref<25600xi32, #tpu.memory_space<vmem>>[vector<16xi32>], vector<16xi32>,
    %swap3A_102 = arith.constant 48 : index
    %swap3A_103 = tpu.vector_load %arg8[%swap3A_102] {strides = array<i32>} : memref<128xi32, #tpu.memory_space<vmem>>, vector<16xi32>,
    tpu.vector_store %arg8[%swap3A_102], %gather3A_101 {strides = array<i32>} : memref<128xi32, #tpu.memory_space<vmem>>, vector<16xi32>,
    %add3A_104 = arith.addi %add3A_34, %broadcast_in_dim3A_89 : vector<16xi32>
    %gather3A_105 = tpu.vector_load_idx %arg6[%add3A_104] : memref<25600xi32, #tpu.memory_space<vmem>>[vector<16xi32>], vector<16xi32>,
    %swap3A_106 = arith.constant 64 : index
    %swap3A_107 = tpu.vector_load %arg8[%swap3A_106] {strides = array<i32>} : memref<128xi32, #tpu.memory_space<vmem>>, vector<16xi32>,
    tpu.vector_store %arg8[%swap3A_106], %gather3A_105 {strides = array<i32>} : memref<128xi32, #tpu.memory_space<vmem>>, vector<16xi32>,
    %add3A_108 = arith.addi %add3A_40, %broadcast_in_dim3A_89 : vector<16xi32>
    %gather3A_109 = tpu.vector_load_idx %arg6[%add3A_108] : memref<25600xi32, #tpu.memory_space<vmem>>[vector<16xi32>], vector<16xi32>,
    %swap3A_110 = arith.constant 80 : index
    %swap3A_111 = tpu.vector_load %arg8[%swap3A_110] {strides = array<i32>} : memref<128xi32, #tpu.memory_space<vmem>>, vector<16xi32>,
    tpu.vector_store %arg8[%swap3A_110], %gather3A_109 {strides = array<i32>} : memref<128xi32, #tpu.memory_space<vmem>>, vector<16xi32>,
    %add3A_112 = arith.addi %add3A_46, %broadcast_in_dim3A_89 : vector<16xi32>
    %gather3A_113 = tpu.vector_load_idx %arg6[%add3A_112] : memref<25600xi32, #tpu.memory_space<vmem>>[vector<16xi32>], vector<16xi32>,
    %swap3A_114 = arith.constant 96 : index
    %swap3A_115 = tpu.vector_load %arg8[%swap3A_114] {strides = array<i32>} : memref<128xi32, #tpu.memory_space<vmem>>, vector<16xi32>,
    tpu.vector_store %arg8[%swap3A_114], %gather3A_113 {strides = array<i32>} : memref<128xi32, #tpu.memory_space<vmem>>, vector<16xi32>,
    %add3A_116 = arith.addi %add3A_52, %broadcast_in_dim3A_89 : vector<16xi32>
    %gather3A_117 = tpu.vector_load_idx %arg6[%add3A_116] : memref<25600xi32, #tpu.memory_space<vmem>>[vector<16xi32>], vector<16xi32>,
    %swap3A_118 = arith.constant 112 : index
    %swap3A_119 = tpu.vector_load %arg8[%swap3A_118] {strides = array<i32>} : memref<128xi32, #tpu.memory_space<vmem>>, vector<16xi32>,
    tpu.vector_store %arg8[%swap3A_118], %gather3A_117 {strides = array<i32>} : memref<128xi32, #tpu.memory_space<vmem>>, vector<16xi32>,
    %dma_start3A = arith.constant 0 : i32
    %dma_start3A_120 = arith.constant 0 : i32
    %dma_start3A_121 = tpu.memref_slice %arg3[%dma_start3A, %dma_start3A_120] : memref<1000000x128xf32, #tpu.memory_space<hbm>> -> memref<1000000x128xf32, #tpu.memory_space<hbm>>
    tpu.enqueue_indirect_dma source(%dma_start3A_121 : memref<1000000x128xf32, #tpu.memory_space<hbm>>) target(%arg10 : memref<128x128xf32, #tpu.memory_space<vmem>>) offsets(%arg8 : memref<128xi32, #tpu.memory_space<vmem>>) semaphore(%arg14 : memref<!tpu.dma_semaphore, #tpu.memory_space<semaphore_mem>>)
    %scan3A = arith.constant 0 : i32
    %scan3A_122 = arith.constant 0 : i32
    %scan3A_123 = arith.constant 100 : i32
    %scan3A_124 = arith.addi %scan3A_122, %scan3A_123 : i32
    %scan3A_125 = arith.constant 1 : i32
    scf.for %scan3A_140 = %scan3A_122 to %scan3A_124 step %scan3A_125  : i32 {
      %mul3A_141 = arith.constant 2 : i32
      %mul3A_142 = arith.muli %mul3A_141, %scan3A_140 : i32
      %add3A_143 = arith.constant 0 : i32
      %add3A_144 = arith.addi %mul3A_142, %add3A_143 : i32
      %add3A_145 = arith.constant 1 : i32
      %add3A_146 = arith.addi %add3A_144, %add3A_145 : i32
      %lt3A = arith.constant 200 : i32
      %lt3A_147 = arith.cmpi slt, %add3A_146, %lt3A : i32
      %add3A_148 = arith.constant 1 : i32
      %add3A_149 = arith.addi %add3A_144, %add3A_148 : i32
      %broadcast_in_dim3A_150 = vector.broadcast %add3A_149 : i32 to vector<16xi32>
      %add3A_151 = arith.addi %add3A_10, %broadcast_in_dim3A_150 : vector<16xi32>
      %gather3A_152 = tpu.vector_load_idx %arg6[%add3A_151] : memref<25600xi32, #tpu.memory_space<vmem>>[vector<16xi32>], vector<16xi32>,
      %swap3A_153 = arith.constant 0 : index
      %swap3A_154 = tpu.vector_load %arg9[%swap3A_153] {strides = array<i32>} : memref<128xi32, #tpu.memory_space<vmem>>, vector<16xi32>,
      tpu.vector_store %arg9[%swap3A_153], %gather3A_152 {strides = array<i32>} : memref<128xi32, #tpu.memory_space<vmem>>, vector<16xi32>,
      %add3A_155 = arith.addi %add3A_16, %broadcast_in_dim3A_150 : vector<16xi32>
      %gather3A_156 = tpu.vector_load_idx %arg6[%add3A_155] : memref<25600xi32, #tpu.memory_space<vmem>>[vector<16xi32>], vector<16xi32>,
      %swap3A_157 = arith.constant 16 : index
      %swap3A_158 = tpu.vector_load %arg9[%swap3A_157] {strides = array<i32>} : memref<128xi32, #tpu.memory_space<vmem>>, vector<16xi32>,
      tpu.vector_store %arg9[%swap3A_157], %gather3A_156 {strides = array<i32>} : memref<128xi32, #tpu.memory_space<vmem>>, vector<16xi32>,
      %add3A_159 = arith.addi %add3A_22, %broadcast_in_dim3A_150 : vector<16xi32>
      %gather3A_160 = tpu.vector_load_idx %arg6[%add3A_159] : memref<25600xi32, #tpu.memory_space<vmem>>[vector<16xi32>], vector<16xi32>,
      %swap3A_161 = arith.constant 32 : index
      %swap3A_162 = tpu.vector_load %arg9[%swap3A_161] {strides = array<i32>} : memref<128xi32, #tpu.memory_space<vmem>>, vector<16xi32>,
      tpu.vector_store %arg9[%swap3A_161], %gather3A_160 {strides = array<i32>} : memref<128xi32, #tpu.memory_space<vmem>>, vector<16xi32>,
      %add3A_163 = arith.addi %add3A_28, %broadcast_in_dim3A_150 : vector<16xi32>
      %gather3A_164 = tpu.vector_load_idx %arg6[%add3A_163] : memref<25600xi32, #tpu.memory_space<vmem>>[vector<16xi32>], vector<16xi32>,
      %swap3A_165 = arith.constant 48 : index
      %swap3A_166 = tpu.vector_load %arg9[%swap3A_165] {strides = array<i32>} : memref<128xi32, #tpu.memory_space<vmem>>, vector<16xi32>,
      tpu.vector_store %arg9[%swap3A_165], %gather3A_164 {strides = array<i32>} : memref<128xi32, #tpu.memory_space<vmem>>, vector<16xi32>,
      %add3A_167 = arith.addi %add3A_34, %broadcast_in_dim3A_150 : vector<16xi32>
      %gather3A_168 = tpu.vector_load_idx %arg6[%add3A_167] : memref<25600xi32, #tpu.memory_space<vmem>>[vector<16xi32>], vector<16xi32>,
      %swap3A_169 = arith.constant 64 : index
      %swap3A_170 = tpu.vector_load %arg9[%swap3A_169] {strides = array<i32>} : memref<128xi32, #tpu.memory_space<vmem>>, vector<16xi32>,
      tpu.vector_store %arg9[%swap3A_169], %gather3A_168 {strides = array<i32>} : memref<128xi32, #tpu.memory_space<vmem>>, vector<16xi32>,
      %add3A_171 = arith.addi %add3A_40, %broadcast_in_dim3A_150 : vector<16xi32>
      %gather3A_172 = tpu.vector_load_idx %arg6[%add3A_171] : memref<25600xi32, #tpu.memory_space<vmem>>[vector<16xi32>], vector<16xi32>,
      %swap3A_173 = arith.constant 80 : index
      %swap3A_174 = tpu.vector_load %arg9[%swap3A_173] {strides = array<i32>} : memref<128xi32, #tpu.memory_space<vmem>>, vector<16xi32>,
      tpu.vector_store %arg9[%swap3A_173], %gather3A_172 {strides = array<i32>} : memref<128xi32, #tpu.memory_space<vmem>>, vector<16xi32>,
      %add3A_175 = arith.addi %add3A_46, %broadcast_in_dim3A_150 : vector<16xi32>
      %gather3A_176 = tpu.vector_load_idx %arg6[%add3A_175] : memref<25600xi32, #tpu.memory_space<vmem>>[vector<16xi32>], vector<16xi32>,
      %swap3A_177 = arith.constant 96 : index
      %swap3A_178 = tpu.vector_load %arg9[%swap3A_177] {strides = array<i32>} : memref<128xi32, #tpu.memory_space<vmem>>, vector<16xi32>,
      tpu.vector_store %arg9[%swap3A_177], %gather3A_176 {strides = array<i32>} : memref<128xi32, #tpu.memory_space<vmem>>, vector<16xi32>,
      %add3A_179 = arith.addi %add3A_52, %broadcast_in_dim3A_150 : vector<16xi32>
      %gather3A_180 = tpu.vector_load_idx %arg6[%add3A_179] : memref<25600xi32, #tpu.memory_space<vmem>>[vector<16xi32>], vector<16xi32>,
      %swap3A_181 = arith.constant 112 : index
      %swap3A_182 = tpu.vector_load %arg9[%swap3A_181] {strides = array<i32>} : memref<128xi32, #tpu.memory_space<vmem>>, vector<16xi32>,
      tpu.vector_store %arg9[%swap3A_181], %gather3A_180 {strides = array<i32>} : memref<128xi32, #tpu.memory_space<vmem>>, vector<16xi32>,
      %dma_start3A_183 = arith.constant 0 : i32
      %dma_start3A_184 = arith.constant 0 : i32
      %dma_start3A_185 = tpu.memref_slice %arg3[%dma_start3A_183, %dma_start3A_184] : memref<1000000x128xf32, #tpu.memory_space<hbm>> -> memref<1000000x128xf32, #tpu.memory_space<hbm>>
      tpu.enqueue_indirect_dma source(%dma_start3A_185 : memref<1000000x128xf32, #tpu.memory_space<hbm>>) target(%arg11 : memref<128x128xf32, #tpu.memory_space<vmem>>) offsets(%arg9 : memref<128xi32, #tpu.memory_space<vmem>>) semaphore(%arg15 : memref<!tpu.dma_semaphore, #tpu.memory_space<semaphore_mem>>)
      %dma_wait3A_186 = arith.constant 0 : i32
      %dma_wait3A_187 = arith.constant 0 : i32
      %dma_wait3A_188 = tpu.memref_slice %arg3[%dma_wait3A_186, %dma_wait3A_187] : memref<1000000x128xf32, #tpu.memory_space<hbm>> -> memref<1000000x128xf32, #tpu.memory_space<hbm>>
      tpu.wait_indirect_dma semaphore(%arg14 : memref<!tpu.dma_semaphore, #tpu.memory_space<semaphore_mem>>) src(%dma_wait3A_188 : memref<1000000x128xf32, #tpu.memory_space<hbm>>) dst(%arg10 : memref<128x128xf32, #tpu.memory_space<vmem>>)
      %ge3A = arith.constant 1 : i32
      %ge3A_189 = arith.cmpi sge, %scan3A_140, %ge3A : i32
      %convert_element_type3A = arith.extui %ge3A_189 : i1 to i32
      %cond3A = arith.constant 0 : i32
      %cond3A_190 = arith.cmpi ne, %convert_element_type3A, %cond3A : i32
      scf.if %cond3A_190 {
        %dma_wait3A_227 = arith.constant 0 : i32
        %dma_wait3A_228 = tpu.memref_slice %arg5[%add3A_144, %dma_wait3A_227, %mul3A_2] : memref<200x64x4096xf32, #tpu.memory_space<hbm>> -> memref<1x64x128xf32, #tpu.memory_space<hbm>>
        %dma_wait3A_229 = tpu.memref_squeeze %dma_wait3A_228 : memref<1x64x128xf32, #tpu.memory_space<hbm>> -> memref<64x128xf32, #tpu.memory_space<hbm>>
        %dma_wait3A_230 = arith.constant 0 : i32
        %dma_wait3A_231 = tpu.memref_slice %arg5[%add3A_144, %dma_wait3A_230, %mul3A_2] : memref<200x64x4096xf32, #tpu.memory_space<hbm>> -> memref<1x64x128xf32, #tpu.memory_space<hbm>>
        %dma_wait3A_232 = tpu.memref_squeeze %dma_wait3A_231 : memref<1x64x128xf32, #tpu.memory_space<hbm>> -> memref<64x128xf32, #tpu.memory_space<hbm>>
        tpu.wait_dma2 semaphore(%arg16 : memref<!tpu.dma_semaphore, #tpu.memory_space<semaphore_mem>>) src(%arg12 : memref<64x128xf32, #tpu.memory_space<vmem>>) dst(%dma_wait3A_232 : memref<64x128xf32, #tpu.memory_space<hbm>>)
      } else {
      }
      %broadcast_in_dim3A_191 = vector.broadcast %add3A_144 : i32 to vector<16xi32>
      %parallel_loop3A = arith.constant 0 : i32
      %parallel_loop3A_192 = arith.constant 64 : i32
      %parallel_loop3A_193 = arith.constant 1 : i32
      scf.for %parallel_loop3A_227 = %parallel_loop3A to %parallel_loop3A_192 step %parallel_loop3A_193  : i32 {
        %parallel_loop3A_228 = vector.broadcast %parallel_loop3A_227 : i32 to vector<16xi32>
        %parallel_loop3A_229 = tpu.vector_load_idx %arg7[%broadcast_in_dim3A_191, %parallel_loop3A_228] : memref<200x128xf32, #tpu.memory_space<vmem>>[vector<16xi32>, vector<16xi32>], vector<16xf32>,
        %parallel_loop3A_230 = tpu.vector_load_idx %arg10[%add3A_55, %parallel_loop3A_228] : memref<128x128xf32, #tpu.memory_space<vmem>>[vector<16xi32>, vector<16xi32>], vector<16xf32>,
        %parallel_loop3A_231 = arith.addf %parallel_loop3A_230, %parallel_loop3A_229 : vector<16xf32>
        %parallel_loop3A_232 = arith.index_cast %parallel_loop3A_227 : i32 to index
        %parallel_loop3A_233 = arith.constant 0 : index
        %parallel_loop3A_234 = tpu.vector_load %arg12[%parallel_loop3A_232, %parallel_loop3A_233] {strides = array<i32>} : memref<64x128xf32, #tpu.memory_space<vmem>>, vector<16xf32>,
        tpu.vector_store %arg12[%parallel_loop3A_232, %parallel_loop3A_233], %parallel_loop3A_231 {strides = array<i32>} : memref<64x128xf32, #tpu.memory_space<vmem>>, vector<16xf32>,
        %parallel_loop3A_235 = tpu.vector_load_idx %arg10[%add3A_58, %parallel_loop3A_228] : memref<128x128xf32, #tpu.memory_space<vmem>>[vector<16xi32>, vector<16xi32>], vector<16xf32>,
        %parallel_loop3A_236 = arith.addf %parallel_loop3A_235, %parallel_loop3A_229 : vector<16xf32>
        %parallel_loop3A_237 = arith.index_cast %parallel_loop3A_227 : i32 to index
        %parallel_loop3A_238 = arith.constant 16 : index
        %parallel_loop3A_239 = tpu.vector_load %arg12[%parallel_loop3A_237, %parallel_loop3A_238] {strides = array<i32>} : memref<64x128xf32, #tpu.memory_space<vmem>>, vector<16xf32>,
        tpu.vector_store %arg12[%parallel_loop3A_237, %parallel_loop3A_238], %parallel_loop3A_236 {strides = array<i32>} : memref<64x128xf32, #tpu.memory_space<vmem>>, vector<16xf32>,
        %parallel_loop3A_240 = tpu.vector_load_idx %arg10[%add3A_61, %parallel_loop3A_228] : memref<128x128xf32, #tpu.memory_space<vmem>>[vector<16xi32>, vector<16xi32>], vector<16xf32>,
        %parallel_loop3A_241 = arith.addf %parallel_loop3A_240, %parallel_loop3A_229 : vector<16xf32>
        %parallel_loop3A_242 = arith.index_cast %parallel_loop3A_227 : i32 to index
        %parallel_loop3A_243 = arith.constant 32 : index
        %parallel_loop3A_244 = tpu.vector_load %arg12[%parallel_loop3A_242, %parallel_loop3A_243] {strides = array<i32>} : memref<64x128xf32, #tpu.memory_space<vmem>>, vector<16xf32>,
        tpu.vector_store %arg12[%parallel_loop3A_242, %parallel_loop3A_243], %parallel_loop3A_241 {strides = array<i32>} : memref<64x128xf32, #tpu.memory_space<vmem>>, vector<16xf32>,
        %parallel_loop3A_245 = tpu.vector_load_idx %arg10[%add3A_64, %parallel_loop3A_228] : memref<128x128xf32, #tpu.memory_space<vmem>>[vector<16xi32>, vector<16xi32>], vector<16xf32>,
        %parallel_loop3A_246 = arith.addf %parallel_loop3A_245, %parallel_loop3A_229 : vector<16xf32>
        %parallel_loop3A_247 = arith.index_cast %parallel_loop3A_227 : i32 to index
        %parallel_loop3A_248 = arith.constant 48 : index
        %parallel_loop3A_249 = tpu.vector_load %arg12[%parallel_loop3A_247, %parallel_loop3A_248] {strides = array<i32>} : memref<64x128xf32, #tpu.memory_space<vmem>>, vector<16xf32>,
        tpu.vector_store %arg12[%parallel_loop3A_247, %parallel_loop3A_248], %parallel_loop3A_246 {strides = array<i32>} : memref<64x128xf32, #tpu.memory_space<vmem>>, vector<16xf32>,
        %parallel_loop3A_250 = tpu.vector_load_idx %arg10[%add3A_67, %parallel_loop3A_228] : memref<128x128xf32, #tpu.memory_space<vmem>>[vector<16xi32>, vector<16xi32>], vector<16xf32>,
        %parallel_loop3A_251 = arith.addf %parallel_loop3A_250, %parallel_loop3A_229 : vector<16xf32>
        %parallel_loop3A_252 = arith.index_cast %parallel_loop3A_227 : i32 to index
        %parallel_loop3A_253 = arith.constant 64 : index
        %parallel_loop3A_254 = tpu.vector_load %arg12[%parallel_loop3A_252, %parallel_loop3A_253] {strides = array<i32>} : memref<64x128xf32, #tpu.memory_space<vmem>>, vector<16xf32>,
        tpu.vector_store %arg12[%parallel_loop3A_252, %parallel_loop3A_253], %parallel_loop3A_251 {strides = array<i32>} : memref<64x128xf32, #tpu.memory_space<vmem>>, vector<16xf32>,
        %parallel_loop3A_255 = tpu.vector_load_idx %arg10[%add3A_70, %parallel_loop3A_228] : memref<128x128xf32, #tpu.memory_space<vmem>>[vector<16xi32>, vector<16xi32>], vector<16xf32>,
        %parallel_loop3A_256 = arith.addf %parallel_loop3A_255, %parallel_loop3A_229 : vector<16xf32>
        %parallel_loop3A_257 = arith.index_cast %parallel_loop3A_227 : i32 to index
        %parallel_loop3A_258 = arith.constant 80 : index
        %parallel_loop3A_259 = tpu.vector_load %arg12[%parallel_loop3A_257, %parallel_loop3A_258] {strides = array<i32>} : memref<64x128xf32, #tpu.memory_space<vmem>>, vector<16xf32>,
        tpu.vector_store %arg12[%parallel_loop3A_257, %parallel_loop3A_258], %parallel_loop3A_256 {strides = array<i32>} : memref<64x128xf32, #tpu.memory_space<vmem>>, vector<16xf32>,
        %parallel_loop3A_260 = tpu.vector_load_idx %arg10[%add3A_73, %parallel_loop3A_228] : memref<128x128xf32, #tpu.memory_space<vmem>>[vector<16xi32>, vector<16xi32>], vector<16xf32>,
        %parallel_loop3A_261 = arith.addf %parallel_loop3A_260, %parallel_loop3A_229 : vector<16xf32>
        %parallel_loop3A_262 = arith.index_cast %parallel_loop3A_227 : i32 to index
        %parallel_loop3A_263 = arith.constant 96 : index
        %parallel_loop3A_264 = tpu.vector_load %arg12[%parallel_loop3A_262, %parallel_loop3A_263] {strides = array<i32>} : memref<64x128xf32, #tpu.memory_space<vmem>>, vector<16xf32>,
        tpu.vector_store %arg12[%parallel_loop3A_262, %parallel_loop3A_263], %parallel_loop3A_261 {strides = array<i32>} : memref<64x128xf32, #tpu.memory_space<vmem>>, vector<16xf32>,
        %parallel_loop3A_265 = tpu.vector_load_idx %arg10[%add3A_76, %parallel_loop3A_228] : memref<128x128xf32, #tpu.memory_space<vmem>>[vector<16xi32>, vector<16xi32>], vector<16xf32>,
        %parallel_loop3A_266 = arith.addf %parallel_loop3A_265, %parallel_loop3A_229 : vector<16xf32>
        %parallel_loop3A_267 = arith.index_cast %parallel_loop3A_227 : i32 to index
        %parallel_loop3A_268 = arith.constant 112 : index
        %parallel_loop3A_269 = tpu.vector_load %arg12[%parallel_loop3A_267, %parallel_loop3A_268] {strides = array<i32>} : memref<64x128xf32, #tpu.memory_space<vmem>>, vector<16xf32>,
        tpu.vector_store %arg12[%parallel_loop3A_267, %parallel_loop3A_268], %parallel_loop3A_266 {strides = array<i32>} : memref<64x128xf32, #tpu.memory_space<vmem>>, vector<16xf32>,
      } {sc.loop_unroll_factor = 4 : i64, sc.parallel_access}
      %dma_start3A_194 = arith.constant 0 : i32
      %dma_start3A_195 = tpu.memref_slice %arg5[%add3A_144, %dma_start3A_194, %mul3A_2] : memref<200x64x4096xf32, #tpu.memory_space<hbm>> -> memref<1x64x128xf32, #tpu.memory_space<hbm>>
      %dma_start3A_196 = tpu.memref_squeeze %dma_start3A_195 : memref<1x64x128xf32, #tpu.memory_space<hbm>> -> memref<64x128xf32, #tpu.memory_space<hbm>>
      %dma_start3A_197 = arith.constant 0 : i32
      %dma_start3A_198 = tpu.memref_slice %arg5[%add3A_144, %dma_start3A_197, %mul3A_2] : memref<200x64x4096xf32, #tpu.memory_space<hbm>> -> memref<1x64x128xf32, #tpu.memory_space<hbm>>
      %dma_start3A_199 = tpu.memref_squeeze %dma_start3A_198 : memref<1x64x128xf32, #tpu.memory_space<hbm>> -> memref<64x128xf32, #tpu.memory_space<hbm>>
      tpu.enqueue_dma source(%arg12 : memref<64x128xf32, #tpu.memory_space<vmem>>) target(%dma_start3A_199 : memref<64x128xf32, #tpu.memory_space<hbm>>) target_semaphore(%arg16 : memref<!tpu.dma_semaphore, #tpu.memory_space<semaphore_mem>>)
      %mul3A_200 = arith.constant 2 : i32
      %mul3A_201 = arith.muli %mul3A_200, %scan3A_140 : i32
      %add3A_202 = arith.constant 1 : i32
      %add3A_203 = arith.addi %mul3A_201, %add3A_202 : i32
      %lt3A_204 = arith.constant 99 : i32
      %lt3A_205 = arith.cmpi slt, %scan3A_140, %lt3A_204 : i32
      %convert_element_type3A_206 = arith.extui %lt3A_205 : i1 to i32
      %cond3A_207 = arith.constant 0 : i32
      %cond3A_208 = arith.cmpi ne, %convert_element_type3A_206, %cond3A_207 : i32
      scf.if %cond3A_208 {
        %add3A_227 = arith.constant 1 : i32
        %add3A_228 = arith.addi %add3A_203, %add3A_227 : i32
        %broadcast_in_dim3A_229 = vector.broadcast %add3A_228 : i32 to vector<16xi32>
        %add3A_230 = arith.addi %add3A_10, %broadcast_in_dim3A_229 : vector<16xi32>
        %gather3A_231 = tpu.vector_load_idx %arg6[%add3A_230] : memref<25600xi32, #tpu.memory_space<vmem>>[vector<16xi32>], vector<16xi32>,
        %swap3A_232 = arith.constant 0 : index
        %swap3A_233 = tpu.vector_load %arg8[%swap3A_232] {strides = array<i32>} : memref<128xi32, #tpu.memory_space<vmem>>, vector<16xi32>,
        tpu.vector_store %arg8[%swap3A_232], %gather3A_231 {strides = array<i32>} : memref<128xi32, #tpu.memory_space<vmem>>, vector<16xi32>,
        %add3A_234 = arith.addi %add3A_16, %broadcast_in_dim3A_229 : vector<16xi32>
        %gather3A_235 = tpu.vector_load_idx %arg6[%add3A_234] : memref<25600xi32, #tpu.memory_space<vmem>>[vector<16xi32>], vector<16xi32>,
        %swap3A_236 = arith.constant 16 : index
        %swap3A_237 = tpu.vector_load %arg8[%swap3A_236] {strides = array<i32>} : memref<128xi32, #tpu.memory_space<vmem>>, vector<16xi32>,
        tpu.vector_store %arg8[%swap3A_236], %gather3A_235 {strides = array<i32>} : memref<128xi32, #tpu.memory_space<vmem>>, vector<16xi32>,
        %add3A_238 = arith.addi %add3A_22, %broadcast_in_dim3A_229 : vector<16xi32>
        %gather3A_239 = tpu.vector_load_idx %arg6[%add3A_238] : memref<25600xi32, #tpu.memory_space<vmem>>[vector<16xi32>], vector<16xi32>,
        %swap3A_240 = arith.constant 32 : index
        %swap3A_241 = tpu.vector_load %arg8[%swap3A_240] {strides = array<i32>} : memref<128xi32, #tpu.memory_space<vmem>>, vector<16xi32>,
        tpu.vector_store %arg8[%swap3A_240], %gather3A_239 {strides = array<i32>} : memref<128xi32, #tpu.memory_space<vmem>>, vector<16xi32>,
        %add3A_242 = arith.addi %add3A_28, %broadcast_in_dim3A_229 : vector<16xi32>
        %gather3A_243 = tpu.vector_load_idx %arg6[%add3A_242] : memref<25600xi32, #tpu.memory_space<vmem>>[vector<16xi32>], vector<16xi32>,
        %swap3A_244 = arith.constant 48 : index
        %swap3A_245 = tpu.vector_load %arg8[%swap3A_244] {strides = array<i32>} : memref<128xi32, #tpu.memory_space<vmem>>, vector<16xi32>,
        tpu.vector_store %arg8[%swap3A_244], %gather3A_243 {strides = array<i32>} : memref<128xi32, #tpu.memory_space<vmem>>, vector<16xi32>,
        %add3A_246 = arith.addi %add3A_34, %broadcast_in_dim3A_229 : vector<16xi32>
        %gather3A_247 = tpu.vector_load_idx %arg6[%add3A_246] : memref<25600xi32, #tpu.memory_space<vmem>>[vector<16xi32>], vector<16xi32>,
        %swap3A_248 = arith.constant 64 : index
        %swap3A_249 = tpu.vector_load %arg8[%swap3A_248] {strides = array<i32>} : memref<128xi32, #tpu.memory_space<vmem>>, vector<16xi32>,
        tpu.vector_store %arg8[%swap3A_248], %gather3A_247 {strides = array<i32>} : memref<128xi32, #tpu.memory_space<vmem>>, vector<16xi32>,
        %add3A_250 = arith.addi %add3A_40, %broadcast_in_dim3A_229 : vector<16xi32>
        %gather3A_251 = tpu.vector_load_idx %arg6[%add3A_250] : memref<25600xi32, #tpu.memory_space<vmem>>[vector<16xi32>], vector<16xi32>,
        %swap3A_252 = arith.constant 80 : index
        %swap3A_253 = tpu.vector_load %arg8[%swap3A_252] {strides = array<i32>} : memref<128xi32, #tpu.memory_space<vmem>>, vector<16xi32>,
        tpu.vector_store %arg8[%swap3A_252], %gather3A_251 {strides = array<i32>} : memref<128xi32, #tpu.memory_space<vmem>>, vector<16xi32>,
        %add3A_254 = arith.addi %add3A_46, %broadcast_in_dim3A_229 : vector<16xi32>
        %gather3A_255 = tpu.vector_load_idx %arg6[%add3A_254] : memref<25600xi32, #tpu.memory_space<vmem>>[vector<16xi32>], vector<16xi32>,
        %swap3A_256 = arith.constant 96 : index
        %swap3A_257 = tpu.vector_load %arg8[%swap3A_256] {strides = array<i32>} : memref<128xi32, #tpu.memory_space<vmem>>, vector<16xi32>,
        tpu.vector_store %arg8[%swap3A_256], %gather3A_255 {strides = array<i32>} : memref<128xi32, #tpu.memory_space<vmem>>, vector<16xi32>,
        %add3A_258 = arith.addi %add3A_52, %broadcast_in_dim3A_229 : vector<16xi32>
        %gather3A_259 = tpu.vector_load_idx %arg6[%add3A_258] : memref<25600xi32, #tpu.memory_space<vmem>>[vector<16xi32>], vector<16xi32>,
        %swap3A_260 = arith.constant 112 : index
        %swap3A_261 = tpu.vector_load %arg8[%swap3A_260] {strides = array<i32>} : memref<128xi32, #tpu.memory_space<vmem>>, vector<16xi32>,
        tpu.vector_store %arg8[%swap3A_260], %gather3A_259 {strides = array<i32>} : memref<128xi32, #tpu.memory_space<vmem>>, vector<16xi32>,
        %dma_start3A_262 = arith.constant 0 : i32
        %dma_start3A_263 = arith.constant 0 : i32
        %dma_start3A_264 = tpu.memref_slice %arg3[%dma_start3A_262, %dma_start3A_263] : memref<1000000x128xf32, #tpu.memory_space<hbm>> -> memref<1000000x128xf32, #tpu.memory_space<hbm>>
        tpu.enqueue_indirect_dma source(%dma_start3A_264 : memref<1000000x128xf32, #tpu.memory_space<hbm>>) target(%arg10 : memref<128x128xf32, #tpu.memory_space<vmem>>) offsets(%arg8 : memref<128xi32, #tpu.memory_space<vmem>>) semaphore(%arg14 : memref<!tpu.dma_semaphore, #tpu.memory_space<semaphore_mem>>)
      } else {
      }
      %dma_wait3A_209 = arith.constant 0 : i32
      %dma_wait3A_210 = arith.constant 0 : i32
      %dma_wait3A_211 = tpu.memref_slice %arg3[%dma_wait3A_209, %dma_wait3A_210] : memref<1000000x128xf32, #tpu.memory_space<hbm>> -> memref<1000000x128xf32, #tpu.memory_space<hbm>>
      tpu.wait_indirect_dma semaphore(%arg15 : memref<!tpu.dma_semaphore, #tpu.memory_space<semaphore_mem>>) src(%dma_wait3A_211 : memref<1000000x128xf32, #tpu.memory_space<hbm>>) dst(%arg11 : memref<128x128xf32, #tpu.memory_space<vmem>>)
      %ge3A_212 = arith.constant 1 : i32
      %ge3A_213 = arith.cmpi sge, %scan3A_140, %ge3A_212 : i32
      %convert_element_type3A_214 = arith.extui %ge3A_213 : i1 to i32
      %cond3A_215 = arith.constant 0 : i32
      %cond3A_216 = arith.cmpi ne, %convert_element_type3A_214, %cond3A_215 : i32
      scf.if %cond3A_216 {
        %dma_wait3A_227 = arith.constant 0 : i32
        %dma_wait3A_228 = tpu.memref_slice %arg5[%add3A_203, %dma_wait3A_227, %mul3A_2] : memref<200x64x4096xf32, #tpu.memory_space<hbm>> -> memref<1x64x128xf32, #tpu.memory_space<hbm>>
        %dma_wait3A_229 = tpu.memref_squeeze %dma_wait3A_228 : memref<1x64x128xf32, #tpu.memory_space<hbm>> -> memref<64x128xf32, #tpu.memory_space<hbm>>
        %dma_wait3A_230 = arith.constant 0 : i32
        %dma_wait3A_231 = tpu.memref_slice %arg5[%add3A_203, %dma_wait3A_230, %mul3A_2] : memref<200x64x4096xf32, #tpu.memory_space<hbm>> -> memref<1x64x128xf32, #tpu.memory_space<hbm>>
        %dma_wait3A_232 = tpu.memref_squeeze %dma_wait3A_231 : memref<1x64x128xf32, #tpu.memory_space<hbm>> -> memref<64x128xf32, #tpu.memory_space<hbm>>
        tpu.wait_dma2 semaphore(%arg17 : memref<!tpu.dma_semaphore, #tpu.memory_space<semaphore_mem>>) src(%arg13 : memref<64x128xf32, #tpu.memory_space<vmem>>) dst(%dma_wait3A_232 : memref<64x128xf32, #tpu.memory_space<hbm>>)
      } else {
      }
      %broadcast_in_dim3A_217 = vector.broadcast %add3A_203 : i32 to vector<16xi32>
      %parallel_loop3A_218 = arith.constant 0 : i32
      %parallel_loop3A_219 = arith.constant 64 : i32
      %parallel_loop3A_220 = arith.constant 1 : i32
      scf.for %parallel_loop3A_227 = %parallel_loop3A_218 to %parallel_loop3A_219 step %parallel_loop3A_220  : i32 {
        %parallel_loop3A_228 = vector.broadcast %parallel_loop3A_227 : i32 to vector<16xi32>
        %parallel_loop3A_229 = tpu.vector_load_idx %arg7[%broadcast_in_dim3A_217, %parallel_loop3A_228] : memref<200x128xf32, #tpu.memory_space<vmem>>[vector<16xi32>, vector<16xi32>], vector<16xf32>,
        %parallel_loop3A_230 = tpu.vector_load_idx %arg11[%add3A_55, %parallel_loop3A_228] : memref<128x128xf32, #tpu.memory_space<vmem>>[vector<16xi32>, vector<16xi32>], vector<16xf32>,
        %parallel_loop3A_231 = arith.addf %parallel_loop3A_230, %parallel_loop3A_229 : vector<16xf32>
        %parallel_loop3A_232 = arith.index_cast %parallel_loop3A_227 : i32 to index
        %parallel_loop3A_233 = arith.constant 0 : index
        %parallel_loop3A_234 = tpu.vector_load %arg13[%parallel_loop3A_232, %parallel_loop3A_233] {strides = array<i32>} : memref<64x128xf32, #tpu.memory_space<vmem>>, vector<16xf32>,
        tpu.vector_store %arg13[%parallel_loop3A_232, %parallel_loop3A_233], %parallel_loop3A_231 {strides = array<i32>} : memref<64x128xf32, #tpu.memory_space<vmem>>, vector<16xf32>,
        %parallel_loop3A_235 = tpu.vector_load_idx %arg11[%add3A_58, %parallel_loop3A_228] : memref<128x128xf32, #tpu.memory_space<vmem>>[vector<16xi32>, vector<16xi32>], vector<16xf32>,
        %parallel_loop3A_236 = arith.addf %parallel_loop3A_235, %parallel_loop3A_229 : vector<16xf32>
        %parallel_loop3A_237 = arith.index_cast %parallel_loop3A_227 : i32 to index
        %parallel_loop3A_238 = arith.constant 16 : index
        %parallel_loop3A_239 = tpu.vector_load %arg13[%parallel_loop3A_237, %parallel_loop3A_238] {strides = array<i32>} : memref<64x128xf32, #tpu.memory_space<vmem>>, vector<16xf32>,
        tpu.vector_store %arg13[%parallel_loop3A_237, %parallel_loop3A_238], %parallel_loop3A_236 {strides = array<i32>} : memref<64x128xf32, #tpu.memory_space<vmem>>, vector<16xf32>,
        %parallel_loop3A_240 = tpu.vector_load_idx %arg11[%add3A_61, %parallel_loop3A_228] : memref<128x128xf32, #tpu.memory_space<vmem>>[vector<16xi32>, vector<16xi32>], vector<16xf32>,
        %parallel_loop3A_241 = arith.addf %parallel_loop3A_240, %parallel_loop3A_229 : vector<16xf32>
        %parallel_loop3A_242 = arith.index_cast %parallel_loop3A_227 : i32 to index
        %parallel_loop3A_243 = arith.constant 32 : index
        %parallel_loop3A_244 = tpu.vector_load %arg13[%parallel_loop3A_242, %parallel_loop3A_243] {strides = array<i32>} : memref<64x128xf32, #tpu.memory_space<vmem>>, vector<16xf32>,
        tpu.vector_store %arg13[%parallel_loop3A_242, %parallel_loop3A_243], %parallel_loop3A_241 {strides = array<i32>} : memref<64x128xf32, #tpu.memory_space<vmem>>, vector<16xf32>,
        %parallel_loop3A_245 = tpu.vector_load_idx %arg11[%add3A_64, %parallel_loop3A_228] : memref<128x128xf32, #tpu.memory_space<vmem>>[vector<16xi32>, vector<16xi32>], vector<16xf32>,
        %parallel_loop3A_246 = arith.addf %parallel_loop3A_245, %parallel_loop3A_229 : vector<16xf32>
        %parallel_loop3A_247 = arith.index_cast %parallel_loop3A_227 : i32 to index
        %parallel_loop3A_248 = arith.constant 48 : index
        %parallel_loop3A_249 = tpu.vector_load %arg13[%parallel_loop3A_247, %parallel_loop3A_248] {strides = array<i32>} : memref<64x128xf32, #tpu.memory_space<vmem>>, vector<16xf32>,
        tpu.vector_store %arg13[%parallel_loop3A_247, %parallel_loop3A_248], %parallel_loop3A_246 {strides = array<i32>} : memref<64x128xf32, #tpu.memory_space<vmem>>, vector<16xf32>,
        %parallel_loop3A_250 = tpu.vector_load_idx %arg11[%add3A_67, %parallel_loop3A_228] : memref<128x128xf32, #tpu.memory_space<vmem>>[vector<16xi32>, vector<16xi32>], vector<16xf32>,
        %parallel_loop3A_251 = arith.addf %parallel_loop3A_250, %parallel_loop3A_229 : vector<16xf32>
        %parallel_loop3A_252 = arith.index_cast %parallel_loop3A_227 : i32 to index
        %parallel_loop3A_253 = arith.constant 64 : index
        %parallel_loop3A_254 = tpu.vector_load %arg13[%parallel_loop3A_252, %parallel_loop3A_253] {strides = array<i32>} : memref<64x128xf32, #tpu.memory_space<vmem>>, vector<16xf32>,
        tpu.vector_store %arg13[%parallel_loop3A_252, %parallel_loop3A_253], %parallel_loop3A_251 {strides = array<i32>} : memref<64x128xf32, #tpu.memory_space<vmem>>, vector<16xf32>,
        %parallel_loop3A_255 = tpu.vector_load_idx %arg11[%add3A_70, %parallel_loop3A_228] : memref<128x128xf32, #tpu.memory_space<vmem>>[vector<16xi32>, vector<16xi32>], vector<16xf32>,
        %parallel_loop3A_256 = arith.addf %parallel_loop3A_255, %parallel_loop3A_229 : vector<16xf32>
        %parallel_loop3A_257 = arith.index_cast %parallel_loop3A_227 : i32 to index
        %parallel_loop3A_258 = arith.constant 80 : index
        %parallel_loop3A_259 = tpu.vector_load %arg13[%parallel_loop3A_257, %parallel_loop3A_258] {strides = array<i32>} : memref<64x128xf32, #tpu.memory_space<vmem>>, vector<16xf32>,
        tpu.vector_store %arg13[%parallel_loop3A_257, %parallel_loop3A_258], %parallel_loop3A_256 {strides = array<i32>} : memref<64x128xf32, #tpu.memory_space<vmem>>, vector<16xf32>,
        %parallel_loop3A_260 = tpu.vector_load_idx %arg11[%add3A_73, %parallel_loop3A_228] : memref<128x128xf32, #tpu.memory_space<vmem>>[vector<16xi32>, vector<16xi32>], vector<16xf32>,
        %parallel_loop3A_261 = arith.addf %parallel_loop3A_260, %parallel_loop3A_229 : vector<16xf32>
        %parallel_loop3A_262 = arith.index_cast %parallel_loop3A_227 : i32 to index
        %parallel_loop3A_263 = arith.constant 96 : index
        %parallel_loop3A_264 = tpu.vector_load %arg13[%parallel_loop3A_262, %parallel_loop3A_263] {strides = array<i32>} : memref<64x128xf32, #tpu.memory_space<vmem>>, vector<16xf32>,
        tpu.vector_store %arg13[%parallel_loop3A_262, %parallel_loop3A_263], %parallel_loop3A_261 {strides = array<i32>} : memref<64x128xf32, #tpu.memory_space<vmem>>, vector<16xf32>,
        %parallel_loop3A_265 = tpu.vector_load_idx %arg11[%add3A_76, %parallel_loop3A_228] : memref<128x128xf32, #tpu.memory_space<vmem>>[vector<16xi32>, vector<16xi32>], vector<16xf32>,
        %parallel_loop3A_266 = arith.addf %parallel_loop3A_265, %parallel_loop3A_229 : vector<16xf32>
        %parallel_loop3A_267 = arith.index_cast %parallel_loop3A_227 : i32 to index
        %parallel_loop3A_268 = arith.constant 112 : index
        %parallel_loop3A_269 = tpu.vector_load %arg13[%parallel_loop3A_267, %parallel_loop3A_268] {strides = array<i32>} : memref<64x128xf32, #tpu.memory_space<vmem>>, vector<16xf32>,
        tpu.vector_store %arg13[%parallel_loop3A_267, %parallel_loop3A_268], %parallel_loop3A_266 {strides = array<i32>} : memref<64x128xf32, #tpu.memory_space<vmem>>, vector<16xf32>,
      } {sc.loop_unroll_factor = 4 : i64, sc.parallel_access}
      %dma_start3A_221 = arith.constant 0 : i32
      %dma_start3A_222 = tpu.memref_slice %arg5[%add3A_203, %dma_start3A_221, %mul3A_2] : memref<200x64x4096xf32, #tpu.memory_space<hbm>> -> memref<1x64x128xf32, #tpu.memory_space<hbm>>
      %dma_start3A_223 = tpu.memref_squeeze %dma_start3A_222 : memref<1x64x128xf32, #tpu.memory_space<hbm>> -> memref<64x128xf32, #tpu.memory_space<hbm>>
      %dma_start3A_224 = arith.constant 0 : i32
      %dma_start3A_225 = tpu.memref_slice %arg5[%add3A_203, %dma_start3A_224, %mul3A_2] : memref<200x64x4096xf32, #tpu.memory_space<hbm>> -> memref<1x64x128xf32, #tpu.memory_space<hbm>>
      %dma_start3A_226 = tpu.memref_squeeze %dma_start3A_225 : memref<1x64x128xf32, #tpu.memory_space<hbm>> -> memref<64x128xf32, #tpu.memory_space<hbm>>
      tpu.enqueue_dma source(%arg13 : memref<64x128xf32, #tpu.memory_space<vmem>>) target(%dma_start3A_226 : memref<64x128xf32, #tpu.memory_space<hbm>>) target_semaphore(%arg17 : memref<!tpu.dma_semaphore, #tpu.memory_space<semaphore_mem>>)
    }
    %scan3A_126 = arith.constant 100 : i32
    %dma_wait3A = arith.constant 0 : i32
    %dma_wait3A_127 = arith.constant 0 : i32
    %dma_wait3A_128 = tpu.memref_slice %arg5[%dma_wait3A, %dma_wait3A_127, %mul3A_2] : memref<200x64x4096xf32, #tpu.memory_space<hbm>> -> memref<1x64x128xf32, #tpu.memory_space<hbm>>
    %dma_wait3A_129 = tpu.memref_squeeze %dma_wait3A_128 : memref<1x64x128xf32, #tpu.memory_space<hbm>> -> memref<64x128xf32, #tpu.memory_space<hbm>>
    %dma_wait3A_130 = arith.constant 0 : i32
    %dma_wait3A_131 = tpu.memref_slice %arg5[%dma_wait3A, %dma_wait3A_130, %mul3A_2] : memref<200x64x4096xf32, #tpu.memory_space<hbm>> -> memref<1x64x128xf32, #tpu.memory_space<hbm>>
    %dma_wait3A_132 = tpu.memref_squeeze %dma_wait3A_131 : memref<1x64x128xf32, #tpu.memory_space<hbm>> -> memref<64x128xf32, #tpu.memory_space<hbm>>
    tpu.wait_dma2 semaphore(%arg16 : memref<!tpu.dma_semaphore, #tpu.memory_space<semaphore_mem>>) src(%arg12 : memref<64x128xf32, #tpu.memory_space<vmem>>) dst(%dma_wait3A_132 : memref<64x128xf32, #tpu.memory_space<hbm>>)
    %dma_wait3A_133 = arith.constant 1 : i32
    %dma_wait3A_134 = arith.constant 0 : i32
    %dma_wait3A_135 = tpu.memref_slice %arg5[%dma_wait3A_133, %dma_wait3A_134, %mul3A_2] : memref<200x64x4096xf32, #tpu.memory_space<hbm>> -> memref<1x64x128xf32, #tpu.memory_space<hbm>>
    %dma_wait3A_136 = tpu.memref_squeeze %dma_wait3A_135 : memref<1x64x128xf32, #tpu.memory_space<hbm>> -> memref<64x128xf32, #tpu.memory_space<hbm>>
    %dma_wait3A_137 = arith.constant 0 : i32
    %dma_wait3A_138 = tpu.memref_slice %arg5[%dma_wait3A_133, %dma_wait3A_137, %mul3A_2] : memref<200x64x4096xf32, #tpu.memory_space<hbm>> -> memref<1x64x128xf32, #tpu.memory_space<hbm>>
    %dma_wait3A_139 = tpu.memref_squeeze %dma_wait3A_138 : memref<1x64x128xf32, #tpu.memory_space<hbm>> -> memref<64x128xf32, #tpu.memory_space<hbm>>
    tpu.wait_dma2 semaphore(%arg17 : memref<!tpu.dma_semaphore, #tpu.memory_space<semaphore_mem>>) src(%arg13 : memref<64x128xf32, #tpu.memory_space<vmem>>) dst(%dma_wait3A_139 : memref<64x128xf32, #tpu.memory_space<hbm>>)
    return
  }
}

</mosaic_0001>

<sc_bundles>
// kernel: kernel.3.cloned.1.call-start
scs
__scs_entry_jumppad:
0x0: {  	(pc) =	sbr.rel $0x88, $3  }
0x1: {  	(tag) =	ssettag $0x0;
	lr =	simm.s32 $0x1  }
0x2: {  	[smem:$0x3F9E] =	sst lr;
	_ =	strace $0xD0000000  }
0x3: {  	_ = 	snop  }
0x4: {  	_ = 	snop  }
0x5: {  	_ = 	snop  }
0x6: {  	_ = 	snop  }
0x7: {  	_ = 	snop  }
__scs_overlays_trampoline_lowered:
0x8: {  	[smem:$0x3FAD] =	sst s0  }
0x9: {  	[smem:$0x3FAE] =	sst s1  }
0xa: {  	[smem:$0x3FAF] =	sst s2  }
0xb: {  	[smem:$0x3FB0] =	sst s3  }
0xc: {  	[smem:$0x3FB1] =	sst s4  }
0xd: {  	[smem:$0x3FB2] =	sst s5  }
0xe: {  	[smem:$0x3FB3] =	sst s6  }
0xf: {  	[smem:$0x3FB4] =	sst s7  }
0x10: {  	[smem:$0x3FB5] =	sst s8  }
0x11: {  	[smem:$0x3FB6] =	sst s9;
	s0 =	simm.s32 @!p0 $0x0  }
0x12: {  	s1 =	sld [smem:$0x3F9C];
	s0 =	simm.s32 @p0 $0x1  }
0x13: {  	[smem:$0x3FB7] =	sst s0;
	s0 =	simm.s32 @!p1 $0x0  }
0x14: {  	s2 =	sld [smem:$0x3F9B];
	s0 =	simm.s32 @p1 $0x1  }
0x15: {  	[smem:$0x3FB8] =	sst s0;
	s0 =	simm.s32 @!p2 $0x0  }
0x16: {  	s3 =	sld [smem:$0x3FDB];
	s0 =	simm.s32 @p2 $0x1  }
0x17: {  	s4 =	simm.s32 $0x1BF5;
	[smem:$0x3FBA] =	sst s0  }
0x18: {  	s0 =	sld [smem:$0x3F9D];
	_ =	swait.ge [sflag:s4], $0x0  }
0x19: {  	s7 =	sld [smem:$0x3F9E]  }
0x1a: {  	s8 =	sadd.s32 $0xFFFFE003, lr  }
0x1b: {  	s9 =	sadd.s32 $0xFFFFFEF7, lr;
	s5 =	simm.s32 $0xFFFFFFFF;
	p2 =	slt.u32 s8, $0xFFFFF086  }
0x1c: {  	p1 =	slt.u32 s9, $0xF7A;
	s5 =	simm.s32 @!p2 $0x0  }
0x1d: {  	s5 =	simm.s32 @p1 $0x1;
	p0 =	seq.s32 s7, s2  }
0x1e: {  	s7 =	smul.u32 @!p0 $0xF7A, s2;
	p2 =	seq.s32 @!p0 s5, $0x0  }
0x1f: {  	s9 =	smul.u32 $0xF7A, s1;
	s8 =	simm.s32 @!p0 $0x1BF5;
	p2 =	por !p2, p0  }
0x20: {  	[sflag:s8] =	ssyncset.s32 @!p0 $0xFFFFF086;
	s6 =	sadd.s32 @!p0 s3, s7;
	s7 =	simm.s32 @!p0 $0x108  }
0x21: {  	s3 =	sadd.s32 s3, s9;
	s6 =	sadd.s32 @!p0 $0x88, s6;
	s7 =	simm.s32 @p2 $0x1082  }
0x22: {  	[simem:s7], [sflag:s8] =	dma.local @!p0 [hbm:s6], $0xF7A  }
0x23: {  	s9 =	sor.u32 $0xD0000000, s2;
	s6 =	simm.s32 $0x108;
	_ =	swait.ge @!p0 [sflag:s8], $0x0  }
0x24: {  	s3 =	sadd.s32 $0x88, s3;
	s6 =	simm.s32 @!p1 $0x1082;
	[sflag:s4] =	ssyncset.s32 $0xFFFFF086  }
0x25: {  	[simem:s6], [sflag:s4] =	dma.local [hbm:s3], $0xF7A  }
0x26: {  	[smem:$0x3F9E] =	sst s1;
	(tag) =	ssettag s2;
	_ =	strace s9  }
0x27: {  	s1 =	sld [smem:$0x3FAE]  }
0x28: {  	s2 =	sld [smem:$0x3FAF]  }
0x29: {  	s4 =	sld [smem:$0x3FB1]  }
0x2a: {  	p0 =	seq.s32 s5, $0x0;
	s5 =	sld [smem:$0x3FB2]  }
0x2b: {  	s6 =	sld [smem:$0x3FB3]  }
0x2c: {  	s7 =	sld [smem:$0x3FB4]  }
0x2d: {  	s3 =	simm.s32 $0x108;
	s8 =	sld [smem:$0x3FB5]  }
0x2e: {  	s3 =	simm.s32 @!p0 $0x1082;
	s9 =	sld [smem:$0x3FB6]  }
0x2f: {  	lr =	sadd.s32 s0, s3;
	s0 =	sld [smem:$0x3FAD]  }
0x30: {  	s3 =	sld [smem:$0x3FB0]  }
0x31: {  	[smem:$0x3FB9] =	sst s10  }
0x32: {  	s10 =	sld [smem:$0x3FB7];
	_ =	sdelay $0x3  }
0x33: {  	p0 =	seq.s32 s10, $0x1;
	s10 =	sld [smem:$0x3FB9];
	_ =	sdelay $0x3  }
0x34: {  	[smem:$0x3FB9] =	sst s10  }
0x35: {  	s10 =	sld [smem:$0x3FB8];
	_ =	sdelay $0x3  }
0x36: {  	p1 =	seq.s32 s10, $0x1;
	s10 =	sld [smem:$0x3FB9];
	_ =	sdelay $0x3  }
0x37: {  	[smem:$0x3FB9] =	sst s10  }
0x38: {  	s10 =	sld [smem:$0x3FBA]  }
0x39: {  	_ = 	snop;
	(pc) =	sbr.ind lr, $3  }
0x3a: {  	_ = 	snop  }
0x3b: {  	_ = 	snop  }
0x3c: {  	p2 =	seq.s32 s10, $0x1;
	s10 =	sld [smem:$0x3FB9]  }
0x3d: {  	_ =	shalt  }
0x3e: {  	_ =	shalt  }
0x3f: {  	_ =	shalt  }
0x40: {  	_ =	shalt  }
0x41: {  	_ =	shalt  }
0x42: {  	_ =	shalt  }
0x43: {  	_ =	shalt  }
0x44: {  	_ =	shalt  }
0x45: {  	_ =	shalt  }
0x46: {  	_ =	shalt  }
0x47: {  	_ =	shalt  }
0x48: {  	_ =	shalt  }
0x49: {  	_ =	shalt  }
0x4a: {  	_ =	shalt  }
0x4b: {  	_ =	shalt  }
0x4c: {  	_ =	shalt  }
0x4d: {  	_ =	shalt  }
0x4e: {  	_ =	shalt  }
0x4f: {  	_ =	shalt  }
0x50: {  	_ =	shalt  }
0x51: {  	_ =	shalt  }
0x52: {  	_ =	shalt  }
0x53: {  	_ =	shalt  }
0x54: {  	_ =	shalt  }
0x55: {  	_ =	shalt  }
0x56: {  	_ =	shalt  }
0x57: {  	_ =	shalt  }
0x58: {  	_ =	shalt  }
0x59: {  	_ =	shalt  }
0x5a: {  	_ =	shalt  }
0x5b: {  	_ =	shalt  }
0x5c: {  	_ =	shalt  }
0x5d: {  	_ =	shalt  }
0x5e: {  	_ =	shalt  }
0x5f: {  	_ =	shalt  }
0x60: {  	_ =	shalt  }
0x61: {  	_ =	shalt  }
0x62: {  	_ =	shalt  }
0x63: {  	_ =	shalt  }
0x64: {  	_ =	shalt  }
0x65: {  	_ =	shalt  }
0x66: {  	_ =	shalt  }
0x67: {  	_ =	shalt  }
0x68: {  	_ =	shalt  }
0x69: {  	_ =	shalt  }
0x6a: {  	_ =	shalt  }
0x6b: {  	_ =	shalt  }
0x6c: {  	_ =	shalt  }
0x6d: {  	_ =	shalt  }
0x6e: {  	_ =	shalt  }
0x6f: {  	_ =	shalt  }
0x70: {  	_ =	shalt  }
0x71: {  	_ =	shalt  }
0x72: {  	_ =	shalt  }
0x73: {  	_ =	shalt  }
0x74: {  	_ =	shalt  }
0x75: {  	_ =	shalt  }
0x76: {  	_ =	shalt  }
0x77: {  	_ =	shalt  }
0x78: {  	_ =	shalt  }
0x79: {  	_ =	shalt  }
0x7a: {  	_ =	shalt  }
0x7b: {  	_ =	shalt  }
0x7c: {  	_ =	shalt  }
0x7d: {  	_ =	shalt  }
0x7e: {  	_ =	shalt  }
0x7f: {  	_ =	shalt  }
0x80: {  	_ =	shalt  }
0x81: {  	_ =	shalt  }
0x82: {  	_ =	shalt  }
0x83: {  	_ =	shalt  }
0x84: {  	_ =	shalt  }
0x85: {  	_ =	shalt  }
0x86: {  	_ =	shalt  }
0x87: {  	_ =	shalt  }
.Lfunc_end0:
.L_simem_size_0:
called_computation_lowered:
.L_overlay_start_0:
0x88: {  	s2 =	sld [smem:$0x3FD9]  }
0x89: {  	s3 =	sld [smem:$0x3FFE];
	_ =	sdelay $0x1  }
0x8a: {  	s1 =	srdreg.scid  }
0x8b: {  	s0 =	sand.u32 $0x1, s1  }
0x8c: {  	s17 =	sshll.u32 s0, $0xA;
	s2 =	sadd.s32 s3, s2  }
0x8d: {  	s2 =	sadd.s32 s2, s17  }
0x8e: {  	[smem:$0x3FC5] =	sst s2  }
0x8f: {  	_ = 	snop  }
0x90: {  	s2 =	sld [smem:$0x3FD0];
	(tm) =	ssettm $0x1  }
0x91: {  	s18 =	sld [smem:$0x3FFB];
	_ =	sdelay $0x3  }
0x92: {  	_ =	strace s18  }
0x93: {  	s3 =	sld [smem:$0x3FFC];
	_ =	sdelay $0x3  }
0x94: {  	_ =	strace s3  }
0x95: {  	s3 =	sld [smem:$0x3FFD];
	_ =	sdelay $0x3  }
0x96: {  	_ =	strace s3  }
0x97: {  	_ =	strace $0x8FFFFFFF  }
0x98: {  	s19 =	sld [smem:$0x3FDB];
	_ =	sdelay $0x1  }
0x99: {  	s4 =	simm.s32 $_scs_section_size  }
0x9a: {  	s5 =	simm.s32 $_size__tile_overlayer_lowered;
	s6 =	simm.s32 $_tile_overlayer_lowered  }
0x9b: {  	s22 =	simm.s32 $0x1BFF;
	s21 =	sshll.u32 s6, $0x1;
	s3 =	sadd.s32 s4, s19  }
0x9c: {  	s7 =	simm.s32 $0x0;
	s20 =	sshll.u32 s5, $0x1;
	s5 =	sadd.s32 s21, s3  }
0x9d: {  	[timem:s7], [sflag:s22] =	dma.local [hbm:s5], s20  }
0x9e: {  	_ =	swait.ge [sflag:s22], s20  }
0x9f: {  	s4 =	ssub.s32 $0x0, s20;
	[sflag:s22] =	ssyncset.done $0x0  }
0xa0: {  	[sflag:s22] =	ssyncadd.s32 s4;
	_ =	sdelay $0x1  }
0xa1: {  	s23 =	simm.s32 $0x1B8B  }
0xa2: {  	_ =	swait.ge [sflag:s23], $0x1  }
0xa3: {  	[sflag:s23] =	ssyncset.done $0x0  }
0xa4: {  	s25 =	simm.s32 $0x1B8E;
	s24 =	sld [smem:$0x3FFE];
	[sflag:s23] =	ssyncadd.s32 $0xFFFFFFFF  }
0xa5: {  	s26 =	simm.s32 $execute0_lowered;
	[smem:$0x3FD2] =	sst s25  }
0xa6: {  	s5 =	sshll.u32 s26, $0x1;
	_ =	strace $0x80000046;
	[dreg:$0x1] =	wrdreg $0xFFFFFFFF  }
0xa7: {  	s28 =	simm.s32 $_size_execute0_lowered;
	s3 =	sadd.s32 s3, s5;
	[dreg:$0x0] =	wrdreg $0x0  }
0xa8: {  	s5 =	sshll.u32 s28, $0x1;
	[dreg:$0x2] =	wrdreg s3  }
0xa9: {  	[dreg:$0x3] =	wrdreg s5  }
0xaa: {  	[dreg:$0x4] =	wrdreg $0xC0  }
0xab: {  	_ =	task [dreg:s7], $0x5FFFF  }
0xac: {  	[dreg:$0x1] =	wrdreg $0xFFFFFFFF  }
0xad: {  	[dreg:$0x0] =	wrdreg $0x60  }
0xae: {  	[dreg:$0x2] =	wrdreg s24  }
0xaf: {  	[dreg:$0x3] =	wrdreg s2  }
0xb0: {  	[dreg:$0x4] =	wrdreg $0x9  }
0xb1: {  	_ =	task.clear_ibuf [dreg:s7], $0x5FFFF;
	_ =	strace $0x90000046  }
0xb2: {  	s29 =	simm.s32 $0x9;
	_ =	strace $0x80000048  }
0xb3: {  	_ =	swait.ge [sflag:s29], $0x1  }
0xb4: {  	[sflag:s29] =	ssyncadd.s32 $0xFFFFFFFF  }
0xb5: {  	_ =	strace $0x90000048  }
0xb6: {  	_ =	sfence  }
0xb7: {  	s30 =	sld [smem:$0x0];
	_ =	sdelay $0x2  }
0xb8: {  	s31 =	sshll.u32 s1, $0xD;
	s1 =	sshrl.u32 s1, $0x2  }
0xb9: {  	s3 =	sand.u32 $0x4000, s31;
	s1 =	sadd.s32 s1, s30  }
0xba: {  	s0 =	sor.u32 s3, s0;
	s1 =	sshll.u32 s1, $0x11  }
0xbb: {  	s0 =	sor.u32 s1, s0  }
0xbc: {  	s0 =	sadd.s32 $0x8F2B, s0  }
0xbd: {  	[sflag:s0] =	ssyncadd.remote.s32 $0x1  }
0xbe: {  	_ =	sfence.sel $0xFFFF  }
0xbf: {  	[dreg:$0x0] =	wrdreg $0xFFFFFFFF;
	(pc) =	sbr.abs _section_cstart, $3  }
0xc0: {  	[dreg:$0x1] =	wrdreg $0xFFFFFFFF  }
0xc1: {  	_ =	task.clear_ibuf [dreg:s7], $0x2FFFF;
	_ =	strace $0x9FFFFFFF  }
0xc2: {  	(tm) =	ssettm $0x7FFFFFFF  }
0xc3: {  	_ =	shalt  }
tec
execute0_lowered:
.L_overlay_start_1:
0x0: {  	(tag) =	ssettag $0x1  }
0x1: {  	s5 =	rddreg [dreg:$0x0]  }
0x2: {  	s1 =	srdreg.scid;
	s0 =	stileid.u32  }
0x3: {  	s2 =	rddreg [dreg:$0x1];
	s3 =	simm.s32 $0x0;
	s10 =	simm.s32 $0x6400  }
0x4: {  	s11 =	simm.s32 $0x80;
	s12 =	simm.s32 $0xC800;
	s13 =	simm.s32 $0xC900  }
0x5: {  	s14 =	simm.s32 $0xC880;
	s15 =	simm.s32 $0x10900;
	s16 =	simm.s32 $0x1  }
0x6: {  	v3 =	vlaneseq.u32;
	s17 =	simm.s32 $0x400;
	s18 =	simm.s32 $0x8000;
	s19 =	simm.s32 $0x14900  }
0x7: {  	s20 =	simm.s32 $0x2;
	s21 =	simm.s32 $0x4;
	s22 =	simm.s32 $0x16900;
	v0 =	vmul.u32 $0xC8, v3  }
0x8: {  	s23 =	simm.s32 $0x3;
	s4 =	sand.u32 $0x1, s1;
	s6 =	sshll.u32 s0, $0x1  }
0x9: {  	s24 =	simm.s32 $0x0;
	[smem:$0x7FF] =	sst s3;
	v3 =	vmul.u32 $0x80, v3;
	s7 =	sor.u32 s4, s6;
	v1 =	vadd.s32 $0xC80, v0;
	v2 =	vadd.s32 $0x1900, v0  }
0xa: {  	_ =	strace $0x80000047;
	s8 =	ssub.s32 $0x2, s4;
	s6 =	smul.u32 $0xC80, s7;
	v4 =	vadd.s32 $0x2580, v0;
	v5 =	vadd.s32 $0x3200, v0;
	v6 =	vadd.s32 $0x3E80, v0  }
0xb: {  	s4 =	sadd.s32 $0xF5BE00, s5;
	s9 =	sshrl.u32 s8, $0x1;
	s7 =	sshll.u32 s7, $0xA;
	v7 =	vadd.s32 $0x4B00, v0;
	v8 =	vadd.s32 $0x5780, v0;
	v9 =	vor.u32 $0x800, v3  }
0xc: {  	v10 =	vor.u32 $0x1000, v3;
	v11 =	vor.u32 $0x1800, v3;
	v12 =	vor.u32 $0x2000, v3;
	s8 =	ssub.s32 s8, s9;
	s9 =	simm.s32 $0x5;
	s6 =	sadd.s32 s6, s5  }
0xd: {  	v13 =	vor.u32 $0x2800, v3;
	v14 =	vor.u32 $0x3000, v3;
	v15 =	vor.u32 $0x3800, v3;
	s5 =	sadd.s32 $0xA00, s5;
	s8 =	smax.u32 s8, $0x1;
	s6 =	sadd.s32 $0xF42E00, s6  }
.LBB2_1:
0xe: {  	[tilespmem:s3], [sflag:$0x5] =	stream.linear.gather [hbm4b:s6+s3], $0x6400, $0x38;
	[tilespmem:$0x18900] =	vst v63  }
0xf: {  	_ =	swait.ge [sflag:s9], $0x6400  }
0x10: {  	[sflag:s9] =	ssyncset.done $0x0  }
0x11: {  	[sflag:s9] =	ssyncadd.s32 $0xFFFF9C00  }
0x12: {  	[tilespmem:s10], [sflag:$0x5] =	stream.linear.gather [hbm4b:s5+s3], $0x6400, $0x38;
	[tilespmem:$0x18900] =	vst v63  }
0x13: {  	_ =	swait.ge [sflag:s9], $0x6400  }
0x14: {  	[sflag:s9] =	ssyncset.done $0x0  }
0x15: {  	[sflag:s9] =	ssyncadd.s32 $0xFFFF9C00  }
0x16: {  	v16 =	vld.idx.msk [tilespmem:v0+s3+$0x0], $0xffff;
	_ =	sdelay $0x4  }
0x17: {  	[tilespmem:$0xC800] =	vst v16  }
0x18: {  	v16 =	vld.idx.msk [tilespmem:v1+s3+$0x0], $0xffff;
	_ =	sdelay $0x4  }
0x19: {  	[tilespmem:$0xC810] =	vst v16  }
0x1a: {  	v16 =	vld.idx.msk [tilespmem:v2+s3+$0x0], $0xffff;
	_ =	sdelay $0x4  }
0x1b: {  	[tilespmem:$0xC820] =	vst v16  }
0x1c: {  	v16 =	vld.idx.msk [tilespmem:v4+s3+$0x0], $0xffff;
	_ =	sdelay $0x4  }
0x1d: {  	[tilespmem:$0xC830] =	vst v16  }
0x1e: {  	v16 =	vld.idx.msk [tilespmem:v5+s3+$0x0], $0xffff;
	_ =	sdelay $0x4  }
0x1f: {  	[tilespmem:$0xC840] =	vst v16  }
0x20: {  	v16 =	vld.idx.msk [tilespmem:v6+s3+$0x0], $0xffff;
	_ =	sdelay $0x4  }
0x21: {  	[tilespmem:$0xC850] =	vst v16  }
0x22: {  	v16 =	vld.idx.msk [tilespmem:v7+s3+$0x0], $0xffff;
	_ =	sdelay $0x4  }
0x23: {  	[tilespmem:$0xC860] =	vst v16  }
0x24: {  	v16 =	vld.idx.msk [tilespmem:v8+s3+$0x0], $0xffff;
	_ =	sdelay $0x4  }
0x25: {  	s25 =	simm.s32 $0x0;
	[tilespmem:$0xC870] =	vst v16  }
0x26: {  	[tilespmem:s13], [sflag:$0x1] =	stream.indirect.gather [hbm4b:s4+s11], $0x80, s12, s11, $0xb8;
	[tilespmem:$0x18900] =	vst v63  }
.LBB2_2:
0x27: {  	s26 =	sshllo.u32 s25, $0x1  }
0x28: {  	v16 =	vadd.s32 s26, v0;
	_ =	sdelay $0x4  }
0x29: {  	v16 =	vld.idx.msk [tilespmem:v16+s3+$0x0], $0xffff  }
0x2a: {  	v17 =	vadd.s32 s26, v1;
	_ =	sdelay $0x3  }
0x2b: {  	[tilespmem:$0xC880] =	vst v16  }
0x2c: {  	v16 =	vld.idx.msk [tilespmem:v17+s3+$0x0], $0xffff  }
0x2d: {  	v17 =	vadd.s32 s26, v2;
	_ =	sdelay $0x3  }
0x2e: {  	[tilespmem:$0xC890] =	vst v16  }
0x2f: {  	v16 =	vld.idx.msk [tilespmem:v17+s3+$0x0], $0xffff  }
0x30: {  	v17 =	vadd.s32 s26, v4;
	_ =	sdelay $0x3  }
0x31: {  	[tilespmem:$0xC8A0] =	vst v16  }
0x32: {  	v16 =	vld.idx.msk [tilespmem:v17+s3+$0x0], $0xffff  }
0x33: {  	v17 =	vadd.s32 s26, v5;
	_ =	sdelay $0x3  }
0x34: {  	[tilespmem:$0xC8B0] =	vst v16  }
0x35: {  	v16 =	vld.idx.msk [tilespmem:v17+s3+$0x0], $0xffff  }
0x36: {  	v17 =	vadd.s32 s26, v6;
	_ =	sdelay $0x3  }
0x37: {  	[tilespmem:$0xC8C0] =	vst v16  }
0x38: {  	v16 =	vld.idx.msk [tilespmem:v17+s3+$0x0], $0xffff  }
0x39: {  	v17 =	vadd.s32 s26, v7;
	_ =	sdelay $0x3  }
0x3a: {  	[tilespmem:$0xC8D0] =	vst v16  }
0x3b: {  	v16 =	vld.idx.msk [tilespmem:v17+s3+$0x0], $0xffff  }
0x3c: {  	v17 =	vadd.s32 s26, v8;
	_ =	sdelay $0x3  }
0x3d: {  	[tilespmem:$0xC8E0] =	vst v16  }
0x3e: {  	v16 =	vld.idx.msk [tilespmem:v17+s3+$0x0], $0xffff;
	_ =	sdelay $0x3  }
0x3f: {  	s29 =	simm.s32 $0x0  }
0x40: {  	s28 =	sshll.u32 s25, $0x1;
	[tilespmem:$0xC8F0] =	vst v16;
	v16 =	vmov s29;
	s29 =	simm.s32 $0x1  }
0x41: {  	[tilespmem:s15], [sflag:$0x2] =	stream.indirect.gather [hbm4b:s4+s11], $0x80, s14, s11, $0xb8;
	v16 =	vand.u32 $0x7C, v16;
	v17 =	vmov s29;
	[tilespmem:$0x18900] =	vst v63  }
0x42: {  	s30 =	simm.s32 $0x3;
	s29 =	sshll.u32 s28, $0x7;
	v29 =	vbroadcast v16, $0x0;
	v16 =	vand.u32 $0x7D, v17  }
0x43: {  	_ =	swait.ge [sflag:s16], $0x4000;
	v34 =	vmov s29;
	v40 =	vbroadcast v16, $0x0;
	v16 =	vmov s30  }
0x44: {  	p0 =	seq.s32 s25, $0x0;
	s29 =	simm.s32 $0x2;
	[sflag:s16] =	ssyncset.done $0x0;
	v17 =	vor.u32 v34, v29;
	v16 =	vand.u32 $0x7F, v16  }
0x45: {  	s30 =	simm.s32 @!p0 $0x3;
	v19 =	vmov s29;
	[sflag:s16] =	ssyncadd.s32 $0xFFFFC000;
	v18 =	vor.u32 v34, v40;
	v41 =	vbroadcast v16, $0x0  }
0x46: {  	v19 =	vand.u32 $0x7E, v19;
	_ =	swait.ge @!p0 [sflag:s30], $0x2000;
	v16 =	vor.u32 v3, v40  }
0x47: {  	v36 =	vbroadcast v19, $0x0;
	[sflag:s30] =	ssyncset.done @!p0 $0x0;
	v19 =	vor.u32 v34, v41  }
0x48: {  	[sflag:s30] =	ssyncadd.s32 @!p0 $0xFFFFE000;
	v20 =	vor.u32 v3, v41  }
0x49: {  	v28 =	vld.idx.msk [tilespmem:v17+s10+$0x0], $0xffff;
	v17 =	vor.u32 v34, v36  }
0x4a: {  	v32 =	vld.idx.msk [tilespmem:v18+s10+$0x0], $0xffff;
	v18 =	vor.u32 v3, v36  }
0x4b: {  	v21 =	vor.u32 v3, v29;
	v16 =	vld.idx.msk [tilespmem:v16+s13+$0x0], $0xffff  }
0x4c: {  	v35 =	vld.idx.msk [tilespmem:v19+s10+$0x0], $0xffff  }
0x4d: {  	v19 =	vld.idx.msk [tilespmem:v20+s13+$0x0], $0xffff  }
0x4e: {  	v37 =	vld.idx.msk [tilespmem:v17+s10+$0x0], $0xffff  }
0x4f: {  	v17 =	vld.idx.msk [tilespmem:v18+s13+$0x0], $0xffff  }
0x50: {  	v20 =	vor.u32 v9, v41;
	v18 =	vld.idx.msk [tilespmem:v21+s13+$0x0], $0xffff  }
0x51: {  	v21 =	vor.u32 v9, v40  }
0x52: {  	v22 =	vor.u32 v9, v36;
	v19 =	vadd.f32 v19, v35  }
0x53: {  	v23 =	vor.u32 v9, v29;
	s30 =	simm.s32 $0x14A00;
	v16 =	vadd.f32 v16, v32  }
0x54: {  	[tilespmem:s30+$0x80] =	vst v19;
	v17 =	vadd.f32 v17, v37  }
0x55: {  	[tilespmem:s30+$0xFFFFFF80] =	vst v16;
	v19 =	vld.idx.msk [tilespmem:v20+s13+$0x0], $0xffff;
	v18 =	vadd.f32 v18, v28  }
0x56: {  	v16 =	vld.idx.msk [tilespmem:v21+s13+$0x0], $0xffff;
	[tilespmem:s30+$0x0] =	vst v17  }
0x57: {  	s29 =	simm.s32 $0x4;
	[tilespmem:s30+$0xFFFFFF00] =	vst v18;
	v18 =	vld.idx.msk [tilespmem:v22+s13+$0x0], $0xffff  }
0x58: {  	v21 =	vor.u32 v10, v41;
	v17 =	vmov s29;
	v20 =	vld.idx.msk [tilespmem:v23+s13+$0x0], $0xffff  }
0x59: {  	v25 =	vor.u32 v10, v36;
	s29 =	simm.s32 $0x5;
	v17 =	vand.u32 $0x7C, v17;
	v23 =	vor.u32 v10, v40  }
0x5a: {  	v22 =	vmov s29;
	v17 =	vbroadcast v17, $0x0;
	v24 =	vadd.f32 v19, v35  }
0x5b: {  	v19 =	vand.u32 $0x7D, v22;
	v22 =	vor.u32 v10, v29;
	v16 =	vadd.f32 v16, v32  }
0x5c: {  	v26 =	vor.u32 v34, v17;
	v19 =	vbroadcast v19, $0x0;
	[tilespmem:s30+$0x90] =	vst v24;
	v18 =	vadd.f32 v18, v37  }
0x5d: {  	s29 =	simm.s32 $0x6;
	v24 =	vor.u32 v3, v17;
	[tilespmem:s30+$0xFFFFFF90] =	vst v16;
	v21 =	vld.idx.msk [tilespmem:v21+s13+$0x0], $0xffff;
	v20 =	vadd.f32 v20, v28  }
0x5e: {  	v16 =	vmov s29;
	v27 =	vor.u32 v34, v19;
	v23 =	vld.idx.msk [tilespmem:v23+s13+$0x0], $0xffff;
	[tilespmem:s30+$0x10] =	vst v18  }
0x5f: {  	v30 =	vor.u32 v3, v19;
	[tilespmem:s30+$0xFFFFFF10] =	vst v20;
	v18 =	vand.u32 $0x7E, v16;
	v20 =	vld.idx.msk [tilespmem:v25+s13+$0x0], $0xffff  }
0x60: {  	v22 =	vld.idx.msk [tilespmem:v22+s13+$0x0], $0xffff;
	v25 =	vor.u32 v11, v41;
	v31 =	vbroadcast v18, $0x0  }
0x61: {  	s29 =	simm.s32 $0x7;
	v16 =	vld.idx.msk [tilespmem:v26+s10+$0x0], $0xffff;
	v26 =	vor.u32 v11, v40  }
0x62: {  	v38 =	vmov s29;
	v33 =	vld.idx.msk [tilespmem:v24+s13+$0x0], $0xffff;
	v21 =	vadd.f32 v21, v35;
	v39 =	vor.u32 v34, v31  }
0x63: {  	v38 =	vand.u32 $0x7F, v38;
	v18 =	vld.idx.msk [tilespmem:v27+s10+$0x0], $0xffff;
	v23 =	vadd.f32 v23, v32;
	v58 =	vor.u32 v3, v31  }
0x64: {  	v24 =	vor.u32 v11, v36;
	v30 =	vld.idx.msk [tilespmem:v30+s13+$0x0], $0xffff;
	[tilespmem:s30+$0xA0] =	vst v21;
	v21 =	vbroadcast v38, $0x0  }
0x65: {  	v27 =	vor.u32 v11, v29;
	[tilespmem:s30+$0xFFFFFFA0] =	vst v23;
	v20 =	vadd.f32 v20, v37;
	v25 =	vld.idx.msk [tilespmem:v25+s13+$0x0], $0xffff  }
0x66: {  	s29 =	simm.s32 $0x8;
	v26 =	vld.idx.msk [tilespmem:v26+s13+$0x0], $0xffff;
	v42 =	vor.u32 v34, v21  }
0x67: {  	v23 =	vmov s29;
	v22 =	vadd.f32 v22, v28;
	v43 =	vor.u32 v3, v21;
	[tilespmem:s30+$0x20] =	vst v20;
	v20 =	vld.idx.msk [tilespmem:v39+s10+$0x0], $0xffff  }
0x68: {  	v56 =	vor.u32 v9, v19;
	v23 =	vand.u32 $0x7C, v23;
	v46 =	vld.idx.msk [tilespmem:v58+s13+$0x0], $0xffff  }
0x69: {  	v45 =	vor.u32 v12, v41;
	s29 =	simm.s32 $0x9;
	v23 =	vbroadcast v23, $0x0;
	[tilespmem:s30+$0xFFFFFF20] =	vst v22;
	v22 =	vld.idx.msk [tilespmem:v24+s13+$0x0], $0xffff  }
0x6a: {  	v59 =	vor.u32 v12, v40;
	v53 =	vadd.f32 v30, v18;
	v44 =	vld.idx.msk [tilespmem:v27+s13+$0x0], $0xffff;
	v24 =	vmov s29  }
0x6b: {  	v62 =	vor.u32 v3, v23;
	s29 =	simm.s32 $0x14C00;
	v27 =	vand.u32 $0x7D, v24;
	v25 =	vadd.f32 v25, v35;
	v24 =	vld.idx.msk [tilespmem:v42+s10+$0x0], $0xffff  }
0x6c: {  	v60 =	vor.u32 v12, v36;
	[tilespmem:s29+$0xFFFFFF80] =	vst v53;
	v26 =	vadd.f32 v26, v32;
	v61 =	vld.idx.msk [tilespmem:v43+s13+$0x0], $0xffff  }
0x6d: {  	v47 =	vor.u32 v12, v29;
	v27 =	vbroadcast v27, $0x0;
	v43 =	vld.idx.msk [tilespmem:v56+s13+$0x0], $0xffff;
	[tilespmem:s30+$0xB0] =	vst v25  }
0x6e: {  	v25 =	vor.u32 v34, v23;
	[tilespmem:s30+$0xFFFFFFB0] =	vst v26;
	v22 =	vadd.f32 v22, v37;
	v45 =	vld.idx.msk [tilespmem:v45+s13+$0x0], $0xffff  }
0x6f: {  	v48 =	vor.u32 v34, v27;
	v44 =	vadd.f32 v44, v28;
	v49 =	vld.idx.msk [tilespmem:v59+s13+$0x0], $0xffff  }
0x70: {  	v38 =	vld.idx.msk [tilespmem:v62+s13+$0x0], $0xffff;
	[tilespmem:s30+$0x30] =	vst v22;
	v22 =	vor.u32 v3, v27  }
0x71: {  	v50 =	vor.u32 v9, v21;
	[tilespmem:s30+$0xFFFFFF30] =	vst v44;
	v63 =	vld.idx.msk [tilespmem:v60+s13+$0x0], $0xffff  }
0x72: {  	v51 =	vor.u32 v13, v41;
	v47 =	vld.idx.msk [tilespmem:v47+s13+$0x0], $0xffff  }
0x73: {  	v58 =	vor.u32 v13, v40;
	v42 =	vadd.f32 v61, v24;
	v26 =	vld.idx.msk [tilespmem:v25+s10+$0x0], $0xffff  }
0x74: {  	s31 =	simm.s32 $0xA;
	v57 =	vor.u32 v9, v31;
	v25 =	vld.idx.msk [tilespmem:v48+s10+$0x0], $0xffff;
	v45 =	vadd.f32 v45, v35  }
0x75: {  	v52 =	vor.u32 v9, v17;
	[tilespmem:s29+$0x80] =	vst v42;
	v49 =	vadd.f32 v49, v32;
	v39 =	vld.idx.msk [tilespmem:v22+s13+$0x0], $0xffff;
	v22 =	vmov s31  }
0x76: {  	v46 =	vadd.f32 v46, v20;
	v62 =	vor.u32 v13, v29;
	v50 =	vld.idx.msk [tilespmem:v50+s13+$0x0], $0xffff;
	[tilespmem:s30+$0xC0] =	vst v45;
	v22 =	vand.u32 $0x7E, v22  }
0x77: {  	v59 =	vor.u32 v13, v36;
	[tilespmem:s30+$0xFFFFFFC0] =	vst v49;
	v61 =	vld.idx.msk [tilespmem:v51+s13+$0x0], $0xffff;
	v30 =	vbroadcast v22, $0x0;
	v22 =	vadd.f32 v33, v16  }
0x78: {  	[tilespmem:s29+$0x0] =	vst v46;
	v47 =	vadd.f32 v47, v28;
	v42 =	vld.idx.msk [tilespmem:v58+s13+$0x0], $0xffff;
	v58 =	vor.u32 v10, v19  }
0x79: {  	v56 =	vor.u32 v10, v21;
	v44 =	vadd.f32 v63, v37;
	[tilespmem:s29+$0xFFFFFF00] =	vst v22;
	v22 =	vld.idx.msk [tilespmem:v57+s13+$0x0], $0xffff  }
0x7a: {  	v43 =	vadd.f32 v43, v18;
	[tilespmem:s30+$0xFFFFFF40] =	vst v47;
	v63 =	vor.u32 v34, v30;
	v60 =	vld.idx.msk [tilespmem:v52+s13+$0x0], $0xffff  }
0x7b: {  	[tilespmem:s30+$0x40] =	vst v44;
	v57 =	vor.u32 v14, v41;
	v50 =	vadd.f32 v50, v24;
	v46 =	vld.idx.msk [tilespmem:v62+s13+$0x0], $0xffff  }
0x7c: {  	[tilespmem:s29+$0xFFFFFF90] =	vst v43;
	v45 =	vld.idx.msk [tilespmem:v59+s13+$0x0], $0xffff;
	v59 =	vor.u32 v10, v31  }
0x7d: {  	v62 =	vor.u32 v10, v17;
	v61 =	vadd.f32 v61, v35;
	[tilespmem:s29+$0x90] =	vst v50;
	v49 =	vld.idx.msk [tilespmem:v58+s13+$0x0], $0xffff  }
0x7e: {  	v55 =	vor.u32 v14, v29;
	v50 =	vld.idx.msk [tilespmem:v56+s13+$0x0], $0xffff;
	v22 =	vadd.f32 v22, v20  }
0x7f: {  	[tilespmem:s30+$0xD0] =	vst v61;
	v33 =	vld.idx.msk [tilespmem:v63+s10+$0x0], $0xffff;
	v63 =	vor.u32 v14, v40;
	v48 =	vadd.f32 v60, v16  }
0x80: {  	v54 =	vld.idx.msk [tilespmem:v57+s13+$0x0], $0xffff;
	v46 =	vadd.f32 v46, v28;
	v60 =	vor.u32 v14, v36;
	[tilespmem:s29+$0x10] =	vst v22  }
0x81: {  	v61 =	vor.u32 v3, v30;
	v22 =	vadd.f32 v42, v32;
	[tilespmem:s29+$0xFFFFFF10] =	vst v48;
	v56 =	vld.idx.msk [tilespmem:v59+s13+$0x0], $0xffff  }
0x82: {  	v45 =	vadd.f32 v45, v37;
	v57 =	vor.u32 v11, v21;
	[tilespmem:s30+$0xFFFFFF50] =	vst v46;
	v44 =	vld.idx.msk [tilespmem:v62+s13+$0x0], $0xffff  }
0x83: {  	v52 =	vor.u32 v15, v41;
	[tilespmem:s30+$0xFFFFFFD0] =	vst v22;
	v62 =	vadd.f32 v50, v24;
	v50 =	vld.idx.msk [tilespmem:v55+s13+$0x0], $0xffff  }
0x84: {  	v47 =	vor.u32 v11, v19;
	[tilespmem:s30+$0x50] =	vst v45;
	v51 =	vld.idx.msk [tilespmem:v63+s13+$0x0], $0xffff  }
0x85: {  	s31 =	simm.s32 $0xB;
	v45 =	vor.u32 v11, v31;
	v46 =	vor.u32 v11, v17;
	v58 =	vadd.f32 v54, v35;
	v53 =	vld.idx.msk [tilespmem:v60+s13+$0x0], $0xffff  }
0x86: {  	v48 =	vadd.f32 v49, v18;
	v22 =	vmov s26;
	v42 =	vld.idx.msk [tilespmem:v61+s13+$0x0], $0xffff;
	v63 =	vmov s31;
	[tilespmem:s29+$0xA0] =	vst v62  }
0x87: {  	s31 =	simm.s32 $0xC;
	v54 =	vor.u32 v15, v40;
	v55 =	vand.u32 $0x7F, v63;
	v43 =	vld.idx.msk [tilespmem:v57+s13+$0x0], $0xffff;
	[tilespmem:s30+$0xE0] =	vst v58;
	v49 =	vadd.f32 v56, v20  }
.LBB2_3:
0x88: {  	p1 =	slt.u32 s31, $0x3C;
	v40 =	vbroadcast v55, $0x0;
	v55 =	vadd.f32 v44, v16;
	[tilespmem:s29+$0xFFFFFFA0] =	vst v48;
	v44 =	vor.u32 v15, v36;
	v48 =	vld.idx.msk [tilespmem:v52+s13+$0x0], $0xffff  }
0x89: {  	v57 =	vadd.f32 v51, v32;
	v47 =	vld.idx.msk [tilespmem:v47+s13+$0x0], $0xffff;
	[tilespmem:s29+$0x20] =	vst v49;
	v49 =	vor.u32 v15, v29;
	v29 =	vmov v17  }
0x8a: {  	v52 =	vadd.f32 v53, v37;
	v17 =	vmov v23;
	v51 =	vor.u32 v34, v40;
	[tilespmem:s29+$0xFFFFFF20] =	vst v55;
	v45 =	vld.idx.msk [tilespmem:v45+s13+$0x0], $0xffff  }
0x8b: {  	s1 =	sadd.s32 $0x1, s31;
	v41 =	vmovc v19;
	v23 =	vmov s31;
	v53 =	vor.u32 v3, v40;
	v50 =	vadd.f32 v50, v28;
	v46 =	vld.idx.msk [tilespmem:v46+s13+$0x0], $0xffff;
	[tilespmem:s30+$0xFFFFFFE0] =	vst v57  }
0x8c: {  	v56 =	vor.u32 v12, v21;
	v19 =	vmovc v27;
	v36 =	vmovc v31;
	v23 =	vand.u32 $0x7C, v23;
	v55 =	vmov s1;
	v54 =	vld.idx.msk [tilespmem:v54+s13+$0x0], $0xffff;
	[tilespmem:s30+$0x60] =	vst v52  }
0x8d: {  	v31 =	vor.u32 v12, v41;
	v23 =	vbroadcast v23, $0x0;
	v27 =	vadd.f32 v43, v24;
	[tilespmem:s30+$0xFFFFFF60] =	vst v50;
	v43 =	vld.idx.msk [tilespmem:v44+s13+$0x0], $0xffff  }
0x8e: {  	v44 =	vor.u32 v12, v29;
	v50 =	vor.u32 v12, v36;
	v57 =	vadd.f32 v48, v35;
	v49 =	vld.idx.msk [tilespmem:v49+s13+$0x0], $0xffff  }
0x8f: {  	v52 =	vor.u32 v9, v17;
	v48 =	vand.u32 $0x7D, v55;
	v47 =	vadd.f32 v47, v18;
	v51 =	vld.idx.msk [tilespmem:v51+s10+$0x0], $0xffff;
	[tilespmem:s29+$0xB0] =	vst v27  }
0x90: {  	v55 =	vor.u32 v34, v23;
	v27 =	vbroadcast v48, $0x0;
	v45 =	vadd.f32 v45, v20;
	v48 =	vld.idx.msk [tilespmem:v53+s13+$0x0], $0xffff;
	[tilespmem:s30+$0xF0] =	vst v57  }
0x91: {  	v35 =	vmov v24;
	v53 =	vor.u32 v3, v23;
	v46 =	vadd.f32 v46, v16;
	[tilespmem:s29+$0xFFFFFFB0] =	vst v47;
	v47 =	vld.idx.msk [tilespmem:v56+s13+$0x0], $0xffff  }
0x92: {  	v56 =	vor.u32 v34, v27;
	v57 =	vadd.f32 v54, v32;
	v32 =	vmov v18;
	v31 =	vld.idx.msk [tilespmem:v31+s13+$0x0], $0xffff;
	[tilespmem:s29+$0x30] =	vst v45  }
0x93: {  	v18 =	vmov v25;
	v45 =	vor.u32 v3, v27;
	v37 =	vadd.f32 v43, v37;
	[tilespmem:s29+$0xFFFFFF30] =	vst v46;
	v46 =	vld.idx.msk [tilespmem:v50+s13+$0x0], $0xffff  }
0x94: {  	v43 =	vor.u32 v9, v40;
	v25 =	vadd.f32 v49, v28;
	v28 =	vmov v16;
	v44 =	vld.idx.msk [tilespmem:v44+s13+$0x0], $0xffff;
	[tilespmem:s30+$0xFFFFFFF0] =	vst v57  }
0x95: {  	v54 =	vor.u32 v13, v21;
	v50 =	vor.u32 v13, v41;
	v24 =	vmov v51;
	v49 =	vld.idx.msk [tilespmem:v55+s10+$0x0], $0xffff;
	[tilespmem:s30+$0x70] =	vst v37  }
0x96: {  	v16 =	vmov v26;
	v37 =	vor.u32 v9, v19;
	v48 =	vadd.f32 v48, v24;
	v51 =	vld.idx.msk [tilespmem:v53+s13+$0x0], $0xffff;
	[tilespmem:s30+$0xFFFFFF70] =	vst v25;
	s30 =	smov.u32 s29  }
0x97: {  	s1 =	sadd.s32 $0x2, s31;
	v55 =	vor.u32 v13, v36;
	v53 =	vor.u32 v9, v30;
	v26 =	vadd.f32 v47, v35;
	s29 =	sadd.s32 $0x200, s29;
	v25 =	vld.idx.msk [tilespmem:v56+s10+$0x0], $0xffff  }
0x98: {  	v47 =	vmov s1;
	v56 =	vadd.f32 v39, v18;
	v39 =	vld.idx.msk [tilespmem:v45+s13+$0x0], $0xffff;
	[tilespmem:s29+$0x80] =	vst v48;
	v45 =	vadd.f32 v31, v32;
	v31 =	vmovc v30  }
0x99: {  	v42 =	vadd.f32 v42, v33;
	v30 =	vand.u32 $0x7E, v47;
	v46 =	vadd.f32 v46, v20;
	v43 =	vld.idx.msk [tilespmem:v43+s13+$0x0], $0xffff;
	[tilespmem:s30+$0xC0] =	vst v26  }
0x9a: {  	v57 =	vadd.f32 v38, v16;
	v30 =	vbroadcast v30, $0x0;
	v44 =	vadd.f32 v44, v28;
	[tilespmem:s29+$0xFFFFFF80] =	vst v56;
	v47 =	vld.idx.msk [tilespmem:v54+s13+$0x0], $0xffff  }
0x9b: {  	v26 =	vmovc v49;
	v48 =	vld.idx.msk [tilespmem:v37+s13+$0x0], $0xffff;
	[tilespmem:s29+$0x0] =	vst v42;
	v42 =	vor.u32 v13, v29;
	v37 =	vmov v20;
	v20 =	vmov v33  }
0x9c: {  	v33 =	vor.u32 v34, v30;
	v38 =	vmov v51;
	[tilespmem:s29+$0xFFFFFF00] =	vst v57;
	v49 =	vld.idx.msk [tilespmem:v53+s13+$0x0], $0xffff  }
0x9d: {  	v51 =	vld.idx.msk [tilespmem:v52+s13+$0x0], $0xffff;
	v52 =	vor.u32 v10, v40;
	[tilespmem:s30+$0xFFFFFFC0] =	vst v45  }
0x9e: {  	v45 =	vld.idx.msk [tilespmem:v50+s13+$0x0], $0xffff;
	[tilespmem:s30+$0x40] =	vst v46;
	v46 =	vor.u32 v14, v21  }
0x9f: {  	v50 =	vor.u32 v10, v19;
	v43 =	vadd.f32 v43, v24;
	[tilespmem:s30+$0xFFFFFF40] =	vst v44;
	v44 =	vld.idx.msk [tilespmem:v55+s13+$0x0], $0xffff  }
0xa0: {  	v53 =	vor.u32 v10, v31;
	v47 =	vadd.f32 v47, v35;
	v42 =	vld.idx.msk [tilespmem:v42+s13+$0x0], $0xffff  }
0xa1: {  	v54 =	vor.u32 v10, v17;
	v48 =	vadd.f32 v48, v18;
	v33 =	vld.idx.msk [tilespmem:v33+s10+$0x0], $0xffff;
	[tilespmem:s29+$0x90] =	vst v43  }
0xa2: {  	v43 =	vadd.f32 v49, v20;
	v49 =	vld.idx.msk [tilespmem:v52+s13+$0x0], $0xffff;
	v52 =	vor.u32 v14, v41;
	[tilespmem:s30+$0xD0] =	vst v47  }
0xa3: {  	v47 =	vadd.f32 v51, v16;
	[tilespmem:s29+$0xFFFFFF90] =	vst v48;
	v48 =	vor.u32 v14, v36;
	v46 =	vld.idx.msk [tilespmem:v46+s13+$0x0], $0xffff  }
0xa4: {  	v45 =	vadd.f32 v45, v32;
	v55 =	vld.idx.msk [tilespmem:v50+s13+$0x0], $0xffff;
	[tilespmem:s29+$0x10] =	vst v43;
	v43 =	vor.u32 v14, v29  }
0xa5: {  	v56 =	vor.u32 v3, v30;
	[tilespmem:s29+$0xFFFFFF10] =	vst v47;
	v57 =	vld.idx.msk [tilespmem:v53+s13+$0x0], $0xffff;
	v47 =	vadd.f32 v44, v37  }
0xa6: {  	v42 =	vadd.f32 v42, v28;
	v44 =	vld.idx.msk [tilespmem:v54+s13+$0x0], $0xffff;
	v54 =	vor.u32 v11, v40;
	[tilespmem:s30+$0xFFFFFFD0] =	vst v45  }
.Ltmp0:
0xa7: {  	v51 =	vld.idx.msk [tilespmem:v52+s13+$0x0], $0xffff;
	[tilespmem:s30+$0x50] =	vst v47;
	v52 =	vor.u32 v15, v21;
	v21 =	vmov v40;
	(pc) =	sbr.rel @p1 .LBB2_3-.Ltmp0, $4  }
0xa8: {  	v47 =	vor.u32 v11, v19;
	v40 =	vadd.f32 v49, v24;
	[tilespmem:s30+$0xFFFFFF50] =	vst v42;
	v53 =	vld.idx.msk [tilespmem:v48+s13+$0x0], $0xffff  }
0xa9: {  	s1 =	sadd.s32 $0x3, s31;
	v45 =	vor.u32 v11, v31;
	v58 =	vadd.f32 v46, v35;
	v50 =	vld.idx.msk [tilespmem:v43+s13+$0x0], $0xffff  }
0xaa: {  	v46 =	vor.u32 v11, v17;
	v43 =	vmov s1;
	v48 =	vadd.f32 v55, v18;
	v42 =	vld.idx.msk [tilespmem:v56+s13+$0x0], $0xffff;
	[tilespmem:s29+$0xA0] =	vst v40  }
0xab: {  	s31 =	sadd.s32 $0x4, s31;
	v55 =	vand.u32 $0x7F, v43;
	v49 =	vadd.f32 v57, v20;
	v43 =	vld.idx.msk [tilespmem:v54+s13+$0x0], $0xffff;
	v54 =	vor.u32 v15, v41;
	[tilespmem:s30+$0xE0] =	vst v58  }
0xac: {  	v40 =	vbroadcast v55, $0x0;
	_ =	sdelay $0x1  }
0xad: {  	v34 =	vor.u32 v34, v40  }
0xae: {  	v41 =	vor.u32 v3, v40;
	_ =	sdelay $0x3  }
0xaf: {  	v34 =	vld.idx.msk [tilespmem:v34+s10+$0x0], $0xffff  }
0xb0: {  	v56 =	vor.u32 v9, v27;
	v41 =	vld.idx.msk [tilespmem:v41+s13+$0x0], $0xffff  }
0xb1: {  	v36 =	vor.u32 v15, v36;
	v51 =	vadd.f32 v51, v32  }
0xb2: {  	v60 =	vor.u32 v9, v30;
	v39 =	vadd.f32 v39, v25  }
0xb3: {  	v52 =	vld.idx.msk [tilespmem:v52+s13+$0x0], $0xffff;
	s31 =	sadd.s32 $0x200, s29;
	v53 =	vadd.f32 v53, v37;
	v55 =	vor.u32 v9, v40;
	[tilespmem:s30+$0xFFFFFFE0] =	vst v51  }
0xb4: {  	v61 =	vor.u32 v9, v23;
	[tilespmem:s31+$0xFFFFFF80] =	vst v39;
	v54 =	vld.idx.msk [tilespmem:v54+s13+$0x0], $0xffff;
	v62 =	vadd.f32 v42, v33  }
0xb5: {  	[tilespmem:s30+$0x60] =	vst v53;
	v56 =	vld.idx.msk [tilespmem:v56+s13+$0x0], $0xffff;
	v41 =	vadd.f32 v41, v34  }
0xb6: {  	v38 =	vadd.f32 v38, v26;
	v36 =	vld.idx.msk [tilespmem:v36+s13+$0x0], $0xffff;
	[tilespmem:s31+$0x0] =	vst v62  }
0xb7: {  	v57 =	vld.idx.msk [tilespmem:v60+s13+$0x0], $0xffff;
	[tilespmem:s31+$0x80] =	vst v41  }
0xb8: {  	[tilespmem:s31+$0xFFFFFF00] =	vst v38;
	v62 =	vor.u32 v10, v27;
	v63 =	vld.idx.msk [tilespmem:v55+s13+$0x0], $0xffff  }
0xb9: {  	v29 =	vor.u32 v15, v29;
	[tilespmem:s29+$0xFFFFFFA0] =	vst v48;
	v59 =	vld.idx.msk [tilespmem:v61+s13+$0x0], $0xffff;
	v58 =	vadd.f32 v54, v32  }
0xba: {  	[tilespmem:s29+$0x20] =	vst v49;
	v53 =	vadd.f32 v56, v25  }
0xbb: {  	v51 =	vor.u32 v10, v30;
	v60 =	vor.u32 v10, v40;
	[tilespmem:s30+$0xFFFFFFF0] =	vst v58;
	v55 =	vadd.f32 v50, v28  }
0xbc: {  	v35 =	vadd.f32 v52, v35;
	v52 =	vor.u32 v10, v23;
	v61 =	vadd.f32 v36, v37;
	[tilespmem:s31+$0xFFFFFF90] =	vst v53  }
0xbd: {  	v54 =	vadd.f32 v57, v33;
	v57 =	vld.idx.msk [tilespmem:v62+s13+$0x0], $0xffff;
	[tilespmem:s30+$0xFFFFFF60] =	vst v55;
	v63 =	vadd.f32 v63, v34  }
0xbe: {  	[tilespmem:s30+$0x70] =	vst v61;
	v41 =	vadd.f32 v59, v26;
	v29 =	vld.idx.msk [tilespmem:v29+s13+$0x0], $0xffff  }
0xbf: {  	v62 =	vld.idx.msk [tilespmem:v47+s13+$0x0], $0xffff;
	[tilespmem:s31+$0x90] =	vst v63  }
0xc0: {  	[tilespmem:s31+$0xFFFFFF10] =	vst v41;
	v55 =	vld.idx.msk [tilespmem:v60+s13+$0x0], $0xffff  }
0xc1: {  	v61 =	vor.u32 v11, v27;
	v53 =	vadd.f32 v43, v24;
	[tilespmem:s31+$0x10] =	vst v54;
	v58 =	vld.idx.msk [tilespmem:v52+s13+$0x0], $0xffff  }
0xc2: {  	[tilespmem:s30+$0xF0] =	vst v35;
	v32 =	vld.idx.msk [tilespmem:v51+s13+$0x0], $0xffff;
	v51 =	vor.u32 v12, v21;
	v60 =	vadd.f32 v44, v16  }
0xc3: {  	v59 =	vor.u32 v11, v40;
	[tilespmem:s29+$0xB0] =	vst v53;
	v56 =	vadd.f32 v29, v28;
	v29 =	vadd.f32 v57, v25  }
0xc4: {  	v49 =	vor.u32 v11, v23;
	v48 =	vld.idx.msk [tilespmem:v45+s13+$0x0], $0xffff;
	v39 =	vadd.f32 v62, v18;
	[tilespmem:s29+$0xFFFFFF20] =	vst v60  }
0xc5: {  	v63 =	vor.u32 v11, v30;
	[tilespmem:s31+$0xFFFFFFA0] =	vst v29;
	v50 =	vld.idx.msk [tilespmem:v46+s13+$0x0], $0xffff;
	v38 =	vadd.f32 v55, v34  }
0xc6: {  	v52 =	vor.u32 v12, v19;
	[tilespmem:s29+$0xFFFFFFB0] =	vst v39;
	v28 =	vadd.f32 v58, v26;
	v37 =	vld.idx.msk [tilespmem:v61+s13+$0x0], $0xffff  }
0xc7: {  	v54 =	vor.u32 v12, v31;
	v32 =	vadd.f32 v32, v33;
	v61 =	vld.idx.msk [tilespmem:v51+s13+$0x0], $0xffff;
	[tilespmem:s31+$0xA0] =	vst v38  }
0xc8: {  	[tilespmem:s31+$0xFFFFFF20] =	vst v28;
	v55 =	vor.u32 v12, v17;
	v35 =	vld.idx.msk [tilespmem:v59+s13+$0x0], $0xffff  }
0xc9: {  	v62 =	vor.u32 v12, v27;
	[tilespmem:s31+$0x20] =	vst v32;
	v57 =	vadd.f32 v48, v20;
	v58 =	vld.idx.msk [tilespmem:v49+s13+$0x0], $0xffff  }
0xca: {  	[tilespmem:s30+$0xFFFFFF70] =	vst v56;
	v51 =	vor.u32 v13, v21;
	v56 =	vld.idx.msk [tilespmem:v63+s13+$0x0], $0xffff;
	v60 =	vadd.f32 v50, v16  }
0xcb: {  	[tilespmem:s29+$0x30] =	vst v57;
	v38 =	vld.idx.msk [tilespmem:v52+s13+$0x0], $0xffff;
	v59 =	vor.u32 v12, v40;
	v37 =	vadd.f32 v37, v25  }
0xcc: {  	v49 =	vld.idx.msk [tilespmem:v54+s13+$0x0], $0xffff;
	v50 =	vor.u32 v12, v23;
	v39 =	vadd.f32 v61, v24;
	[tilespmem:s29+$0xFFFFFF30] =	vst v60  }
0xcd: {  	v48 =	vor.u32 v12, v30;
	[tilespmem:s31+$0xFFFFFFB0] =	vst v37;
	v32 =	vld.idx.msk [tilespmem:v55+s13+$0x0], $0xffff;
	v63 =	vadd.f32 v35, v34  }
0xce: {  	v52 =	vor.u32 v13, v19;
	v36 =	vadd.f32 v58, v26;
	[tilespmem:s29+$0xC0] =	vst v39;
	v44 =	vld.idx.msk [tilespmem:v62+s13+$0x0], $0xffff  }
0xcf: {  	v54 =	vor.u32 v13, v31;
	v28 =	vadd.f32 v56, v33;
	v60 =	vld.idx.msk [tilespmem:v51+s13+$0x0], $0xffff;
	[tilespmem:s31+$0xB0] =	vst v63  }
0xd0: {  	v56 =	vor.u32 v13, v17;
	[tilespmem:s31+$0xFFFFFF30] =	vst v36;
	v55 =	vadd.f32 v38, v18;
	v53 =	vld.idx.msk [tilespmem:v59+s13+$0x0], $0xffff  }
0xd1: {  	v57 =	vadd.f32 v49, v20;
	v61 =	vor.u32 v13, v27;
	[tilespmem:s31+$0x30] =	vst v28;
	v58 =	vld.idx.msk [tilespmem:v50+s13+$0x0], $0xffff  }
0xd2: {  	v35 =	vld.idx.msk [tilespmem:v48+s13+$0x0], $0xffff;
	v50 =	vor.u32 v14, v21;
	[tilespmem:s29+$0xFFFFFFC0] =	vst v55;
	v32 =	vadd.f32 v32, v16  }
0xd3: {  	[tilespmem:s29+$0x40] =	vst v57;
	v29 =	vld.idx.msk [tilespmem:v52+s13+$0x0], $0xffff;
	v59 =	vor.u32 v13, v40;
	v48 =	vadd.f32 v44, v25  }
0xd4: {  	v49 =	vor.u32 v13, v23;
	v63 =	vld.idx.msk [tilespmem:v54+s13+$0x0], $0xffff;
	v52 =	vadd.f32 v60, v24;
	[tilespmem:s29+$0xFFFFFF40] =	vst v32  }
0xd5: {  	v62 =	vor.u32 v13, v30;
	[tilespmem:s31+$0xFFFFFFC0] =	vst v48;
	v38 =	vld.idx.msk [tilespmem:v56+s13+$0x0], $0xffff;
	v37 =	vadd.f32 v53, v34  }
0xd6: {  	v51 =	vor.u32 v14, v19;
	v39 =	vadd.f32 v58, v26;
	[tilespmem:s29+$0xD0] =	vst v52;
	v28 =	vld.idx.msk [tilespmem:v61+s13+$0x0], $0xffff  }
0xd7: {  	v35 =	vadd.f32 v35, v33;
	v57 =	vld.idx.msk [tilespmem:v50+s13+$0x0], $0xffff;
	v53 =	vor.u32 v14, v31;
	[tilespmem:s31+$0xC0] =	vst v37  }
0xd8: {  	v54 =	vor.u32 v14, v17;
	v29 =	vadd.f32 v29, v18;
	[tilespmem:s31+$0xFFFFFF40] =	vst v39;
	v42 =	vld.idx.msk [tilespmem:v59+s13+$0x0], $0xffff  }
0xd9: {  	v58 =	vor.u32 v14, v27;
	[tilespmem:s31+$0x40] =	vst v35;
	v32 =	vadd.f32 v63, v20;
	v56 =	vld.idx.msk [tilespmem:v49+s13+$0x0], $0xffff  }
0xda: {  	v21 =	vor.u32 v15, v21;
	v36 =	vld.idx.msk [tilespmem:v62+s13+$0x0], $0xffff;
	[tilespmem:s29+$0xFFFFFFD0] =	vst v29;
	v38 =	vadd.f32 v38, v16  }
0xdb: {  	v55 =	vor.u32 v14, v40;
	[tilespmem:s29+$0x50] =	vst v32;
	v37 =	vld.idx.msk [tilespmem:v51+s13+$0x0], $0xffff;
	v28 =	vadd.f32 v28, v25  }
0xdc: {  	v62 =	vor.u32 v14, v23;
	v48 =	vadd.f32 v57, v24;
	[tilespmem:s29+$0xFFFFFF50] =	vst v38;
	v61 =	vld.idx.msk [tilespmem:v53+s13+$0x0], $0xffff  }
0xdd: {  	v60 =	vor.u32 v14, v30;
	[tilespmem:s31+$0xFFFFFFD0] =	vst v28;
	v35 =	vld.idx.msk [tilespmem:v54+s13+$0x0], $0xffff;
	v59 =	vadd.f32 v42, v34  }
0xde: {  	v47 =	vadd.f32 v56, v26;
	[tilespmem:s29+$0xE0] =	vst v48;
	v29 =	vld.idx.msk [tilespmem:v58+s13+$0x0], $0xffff  }
0xdf: {  	v45 =	vor.u32 v15, v19;
	v63 =	vadd.f32 v36, v33;
	v21 =	vld.idx.msk [tilespmem:v21+s13+$0x0], $0xffff;
	[tilespmem:s31+$0xD0] =	vst v59  }
0xe0: {  	v17 =	vor.u32 v15, v17;
	v50 =	vadd.f32 v37, v18;
	[tilespmem:s31+$0xFFFFFF50] =	vst v47;
	v46 =	vld.idx.msk [tilespmem:v55+s13+$0x0], $0xffff  }
0xe1: {  	v49 =	vor.u32 v15, v31;
	[tilespmem:s31+$0x50] =	vst v63;
	v39 =	vld.idx.msk [tilespmem:v62+s13+$0x0], $0xffff;
	v52 =	vadd.f32 v61, v20  }
0xe2: {  	v54 =	vor.u32 v15, v27;
	v51 =	vld.idx.msk [tilespmem:v60+s13+$0x0], $0xffff;
	[tilespmem:s29+$0xFFFFFFE0] =	vst v50;
	v35 =	vadd.f32 v35, v16  }
0xe3: {  	v53 =	vor.u32 v15, v40;
	v29 =	vadd.f32 v29, v25;
	[tilespmem:s29+$0x60] =	vst v52  }
0xe4: {  	v23 =	vor.u32 v15, v23;
	v19 =	vld.idx.msk [tilespmem:v45+s13+$0x0], $0xffff;
	v21 =	vadd.f32 v21, v24;
	[tilespmem:s29+$0xFFFFFF60] =	vst v35  }
0xe5: {  	v56 =	vor.u32 v15, v30;
	[tilespmem:s31+$0xFFFFFFE0] =	vst v29;
	v17 =	vld.idx.msk [tilespmem:v17+s13+$0x0], $0xffff;
	v55 =	vadd.f32 v46, v34  }
0xe6: {  	v31 =	vld.idx.msk [tilespmem:v49+s13+$0x0], $0xffff;
	v59 =	vadd.f32 v39, v26;
	[tilespmem:s29+$0xF0] =	vst v21  }
0xe7: {  	v57 =	vadd.f32 v51, v33;
	v60 =	vld.idx.msk [tilespmem:v54+s13+$0x0], $0xffff;
	[tilespmem:s31+$0xE0] =	vst v55  }
0xe8: {  	[tilespmem:s31+$0xFFFFFF60] =	vst v59;
	v58 =	vld.idx.msk [tilespmem:v53+s13+$0x0], $0xffff  }
0xe9: {  	[tilespmem:s31+$0x60] =	vst v57;
	v61 =	vadd.f32 v19, v18;
	v21 =	vld.idx.msk [tilespmem:v23+s13+$0x0], $0xffff  }
0xea: {  	v62 =	vld.idx.msk [tilespmem:v56+s13+$0x0], $0xffff;
	v16 =	vadd.f32 v17, v16  }
0xeb: {  	[tilespmem:s29+$0xFFFFFFF0] =	vst v61;
	v20 =	vadd.f32 v31, v20  }
0xec: {  	[tilespmem:s29+$0xFFFFFF70] =	vst v16;
	v16 =	vadd.f32 v60, v25  }
0xed: {  	p1 =	sne.s32 s25, $0x63;
	[tilespmem:s29+$0x70] =	vst v20;
	v17 =	vadd.f32 v58, v34  }
.Ltmp1:
0xee: {  	s1 =	sshll.u32 s25, $0x13;
	v63 =	vadd.f32 v21, v26;
	[tilespmem:s31+$0xFFFFFFF0] =	vst v16;
	(pc) =	sbr.rel @p1 .LBB2_6-.Ltmp1, $4  }
0xef: {  	s1 =	sor.u32 s7, s1;
	[tilespmem:s31+$0xF0] =	vst v17;
	v17 =	vadd.f32 v62, v33  }
0xf0: {  	s1 =	sshrl.u32 s1, $0x3;
	[tilespmem:s31+$0xFFFFFF70] =	vst v63  }
0xf1: {  	s1 =	sadd.s32 s2, s1;
	[tilespmem:s31+$0x70] =	vst v17  }
0xf2: {  	[hbm4b:s1+s17] =	stream.strided.scatter [tilespmem:s19], [sflag:$0x3], $0x2000, s18, s17, $0x38;
	[tilespmem:$0x18900] =	vst v63  }
.Ltmp2:
0xf3: {  	(pc) =	sbr.rel .LBB2_7-.Ltmp2, $4  }
0xf4: {  	_ = 	snop  }
0xf5: {  	_ =	swait.ge [sflag:s20], $0x4000  }
0xf6: {  	[sflag:s20] =	ssyncset.done $0x0  }
0xf7: {  	[sflag:s20] =	ssyncadd.s32 $0xFFFFC000  }
.LBB2_6:
0xf8: {  	s1 =	sadd.s32 $0x2, s28  }
0xf9: {  	v16 =	vadd.s32 s1, v0;
	_ =	sdelay $0x4  }
0xfa: {  	v16 =	vld.idx.msk [tilespmem:v16+s3+$0x0], $0xffff  }
0xfb: {  	v17 =	vadd.s32 s1, v1;
	_ =	sdelay $0x3  }
0xfc: {  	[tilespmem:$0xC800] =	vst v16  }
0xfd: {  	v16 =	vld.idx.msk [tilespmem:v17+s3+$0x0], $0xffff  }
0xfe: {  	v17 =	vadd.s32 s1, v2;
	_ =	sdelay $0x3  }
0xff: {  	[tilespmem:$0xC810] =	vst v16  }
0x100: {  	v16 =	vld.idx.msk [tilespmem:v17+s3+$0x0], $0xffff  }
0x101: {  	v17 =	vadd.s32 s1, v4;
	_ =	sdelay $0x3  }
0x102: {  	[tilespmem:$0xC820] =	vst v16  }
0x103: {  	v16 =	vld.idx.msk [tilespmem:v17+s3+$0x0], $0xffff  }
0x104: {  	v17 =	vadd.s32 s1, v5;
	_ =	sdelay $0x3  }
0x105: {  	[tilespmem:$0xC830] =	vst v16  }
0x106: {  	v16 =	vld.idx.msk [tilespmem:v17+s3+$0x0], $0xffff  }
0x107: {  	v17 =	vadd.s32 s1, v6;
	_ =	sdelay $0x3  }
0x108: {  	[tilespmem:$0xC840] =	vst v16  }
0x109: {  	v16 =	vld.idx.msk [tilespmem:v17+s3+$0x0], $0xffff  }
0x10a: {  	v17 =	vadd.s32 s1, v7;
	_ =	sdelay $0x3  }
0x10b: {  	[tilespmem:$0xC850] =	vst v16  }
0x10c: {  	v16 =	vld.idx.msk [tilespmem:v17+s3+$0x0], $0xffff  }
0x10d: {  	v17 =	vadd.s32 s1, v8;
	_ =	sdelay $0x3  }
0x10e: {  	[tilespmem:$0xC860] =	vst v16  }
0x10f: {  	v16 =	vld.idx.msk [tilespmem:v17+s3+$0x0], $0xffff;
	_ =	sdelay $0x4  }
.Ltmp3:
0x110: {  	[tilespmem:$0xC870] =	vst v16;
	(pc) =	sbr.rel @p0 .LBB2_8-.Ltmp3, $4  }
0x111: {  	[tilespmem:s13], [sflag:$0x1] =	stream.indirect.gather [hbm4b:s4+s11], $0x80, s12, s11, $0xb8;
	[tilespmem:$0x18900] =	vst v63  }
0x112: {  	_ =	swait.ge [sflag:s20], $0x4000  }
0x113: {  	[sflag:s20] =	ssyncset.done $0x0  }
0x114: {  	[sflag:s20] =	ssyncadd.s32 $0xFFFFC000  }
.LBB2_7:
0x115: {  	_ =	swait.ge [sflag:s21], $0x2000  }
0x116: {  	[sflag:s21] =	ssyncset.done $0x0  }
0x117: {  	[sflag:s21] =	ssyncadd.s32 $0xFFFFE000  }
.LBB2_8:
0x118: {  	s1 =	simm.s32 $0x0  }
0x119: {  	s31 =	simm.s32 $0x1;
	v16 =	vmov s1  }
0x11a: {  	v17 =	vmov s31;
	v16 =	vand.u32 $0x7C, v16  }
0x11b: {  	s31 =	simm.s32 $0x3;
	v30 =	vbroadcast v16, $0x0;
	v16 =	vand.u32 $0x7D, v17  }
0x11c: {  	v33 =	vshll.u32 v22, $0x7;
	v39 =	vbroadcast v16, $0x0;
	v16 =	vmov s31  }
0x11d: {  	s31 =	simm.s32 $0x2;
	v17 =	vor.u32 v33, v30;
	v16 =	vand.u32 $0x7F, v16  }
0x11e: {  	v19 =	vmov s31;
	v18 =	vor.u32 v33, v39;
	v40 =	vbroadcast v16, $0x0  }
0x11f: {  	v16 =	vor.u32 v3, v39;
	v19 =	vand.u32 $0x7E, v19  }
0x120: {  	v35 =	vbroadcast v19, $0x0;
	v19 =	vor.u32 v33, v40  }
0x121: {  	v20 =	vor.u32 v3, v40  }
0x122: {  	v27 =	vld.idx.msk [tilespmem:v17+s10+$0x0], $0xffff;
	v17 =	vor.u32 v33, v35  }
0x123: {  	v31 =	vld.idx.msk [tilespmem:v18+s10+$0x0], $0xffff;
	v18 =	vor.u32 v3, v35  }
0x124: {  	v21 =	vor.u32 v3, v30;
	v16 =	vld.idx.msk [tilespmem:v16+s15+$0x0], $0xffff  }
0x125: {  	v34 =	vld.idx.msk [tilespmem:v19+s10+$0x0], $0xffff  }
0x126: {  	v19 =	vld.idx.msk [tilespmem:v20+s15+$0x0], $0xffff  }
0x127: {  	v36 =	vld.idx.msk [tilespmem:v17+s10+$0x0], $0xffff  }
0x128: {  	v17 =	vld.idx.msk [tilespmem:v18+s15+$0x0], $0xffff  }
0x129: {  	v20 =	vor.u32 v9, v40;
	v18 =	vld.idx.msk [tilespmem:v21+s15+$0x0], $0xffff  }
0x12a: {  	v21 =	vor.u32 v9, v39  }
0x12b: {  	v22 =	vor.u32 v9, v35;
	v19 =	vadd.f32 v19, v34  }
0x12c: {  	s29 =	simm.s32 $0x16A00;
	v23 =	vor.u32 v9, v30;
	v16 =	vadd.f32 v16, v31  }
0x12d: {  	[tilespmem:s29+$0x80] =	vst v19;
	v17 =	vadd.f32 v17, v36  }
0x12e: {  	[tilespmem:s29+$0xFFFFFF80] =	vst v16;
	v19 =	vld.idx.msk [tilespmem:v20+s15+$0x0], $0xffff;
	v18 =	vadd.f32 v18, v27  }
0x12f: {  	v16 =	vld.idx.msk [tilespmem:v21+s15+$0x0], $0xffff;
	[tilespmem:s29+$0x0] =	vst v17  }
0x130: {  	s31 =	simm.s32 $0x4;
	[tilespmem:s29+$0xFFFFFF00] =	vst v18;
	v18 =	vld.idx.msk [tilespmem:v22+s15+$0x0], $0xffff  }
0x131: {  	v21 =	vor.u32 v10, v40;
	v17 =	vmov s31;
	v20 =	vld.idx.msk [tilespmem:v23+s15+$0x0], $0xffff  }
0x132: {  	v25 =	vor.u32 v10, v35;
	s31 =	simm.s32 $0x5;
	v17 =	vand.u32 $0x7C, v17;
	v23 =	vor.u32 v10, v39  }
0x133: {  	v22 =	vmov s31;
	v17 =	vbroadcast v17, $0x0;
	v24 =	vadd.f32 v19, v34  }
0x134: {  	v19 =	vand.u32 $0x7D, v22;
	v22 =	vor.u32 v10, v30;
	v16 =	vadd.f32 v16, v31  }
0x135: {  	v26 =	vor.u32 v33, v17;
	v19 =	vbroadcast v19, $0x0;
	[tilespmem:s29+$0x90] =	vst v24;
	v18 =	vadd.f32 v18, v36  }
0x136: {  	s31 =	simm.s32 $0x6;
	v24 =	vor.u32 v3, v17;
	[tilespmem:s29+$0xFFFFFF90] =	vst v16;
	v21 =	vld.idx.msk [tilespmem:v21+s15+$0x0], $0xffff;
	v20 =	vadd.f32 v20, v27  }
0x137: {  	v16 =	vmov s31;
	v28 =	vor.u32 v33, v19;
	v23 =	vld.idx.msk [tilespmem:v23+s15+$0x0], $0xffff;
	[tilespmem:s29+$0x10] =	vst v18  }
0x138: {  	v32 =	vor.u32 v3, v19;
	[tilespmem:s29+$0xFFFFFF10] =	vst v20;
	v18 =	vand.u32 $0x7E, v16;
	v20 =	vld.idx.msk [tilespmem:v25+s15+$0x0], $0xffff  }
0x139: {  	v22 =	vld.idx.msk [tilespmem:v22+s15+$0x0], $0xffff;
	v25 =	vor.u32 v11, v40;
	v29 =	vbroadcast v18, $0x0  }
0x13a: {  	s31 =	simm.s32 $0x7;
	v16 =	vld.idx.msk [tilespmem:v26+s10+$0x0], $0xffff;
	v26 =	vor.u32 v11, v39  }
0x13b: {  	v37 =	vmov s31;
	v41 =	vld.idx.msk [tilespmem:v24+s15+$0x0], $0xffff;
	v21 =	vadd.f32 v21, v34;
	v38 =	vor.u32 v33, v29  }
0x13c: {  	v37 =	vand.u32 $0x7F, v37;
	v18 =	vld.idx.msk [tilespmem:v28+s10+$0x0], $0xffff;
	v23 =	vadd.f32 v23, v31;
	v56 =	vor.u32 v3, v29  }
0x13d: {  	v24 =	vor.u32 v11, v35;
	v32 =	vld.idx.msk [tilespmem:v32+s15+$0x0], $0xffff;
	[tilespmem:s29+$0xA0] =	vst v21;
	v21 =	vbroadcast v37, $0x0  }
0x13e: {  	v28 =	vor.u32 v11, v30;
	[tilespmem:s29+$0xFFFFFFA0] =	vst v23;
	v20 =	vadd.f32 v20, v36;
	v25 =	vld.idx.msk [tilespmem:v25+s15+$0x0], $0xffff  }
0x13f: {  	v26 =	vld.idx.msk [tilespmem:v26+s15+$0x0], $0xffff;
	v23 =	vor.u32 v33, v21  }
0x140: {  	v22 =	vadd.f32 v22, v27;
	v42 =	vor.u32 v3, v21;
	[tilespmem:s29+$0x20] =	vst v20;
	v20 =	vld.idx.msk [tilespmem:v38+s10+$0x0], $0xffff  }
0x141: {  	v62 =	vor.u32 v9, v19;
	v45 =	vld.idx.msk [tilespmem:v56+s15+$0x0], $0xffff  }
0x142: {  	v52 =	vor.u32 v9, v17;
	v41 =	vadd.f32 v41, v16;
	[tilespmem:s29+$0xFFFFFF20] =	vst v22;
	v24 =	vld.idx.msk [tilespmem:v24+s15+$0x0], $0xffff  }
0x143: {  	s28 =	simm.s32 $0x16C00;
	v44 =	vor.u32 v12, v39;
	v43 =	vor.u32 v12, v40;
	s31 =	simm.s32 $0x8;
	v32 =	vadd.f32 v32, v18;
	v28 =	vld.idx.msk [tilespmem:v28+s15+$0x0], $0xffff  }
0x144: {  	v63 =	vor.u32 v9, v29;
	v22 =	vmov s31;
	s31 =	simm.s32 $0x9;
	[tilespmem:s28+$0xFFFFFF00] =	vst v41;
	v25 =	vadd.f32 v25, v34;
	v23 =	vld.idx.msk [tilespmem:v23+s10+$0x0], $0xffff  }
0x145: {  	v22 =	vand.u32 $0x7C, v22;
	v57 =	vmov s31;
	[tilespmem:s28+$0xFFFFFF80] =	vst v32;
	v47 =	vadd.f32 v26, v31;
	v59 =	vld.idx.msk [tilespmem:v42+s15+$0x0], $0xffff  }
0x146: {  	v58 =	vor.u32 v12, v35;
	v22 =	vbroadcast v22, $0x0;
	v38 =	vand.u32 $0x7D, v57;
	v42 =	vld.idx.msk [tilespmem:v62+s15+$0x0], $0xffff;
	[tilespmem:s29+$0xB0] =	vst v25  }
0x147: {  	v46 =	vor.u32 v12, v30;
	v26 =	vbroadcast v38, $0x0;
	[tilespmem:s29+$0xFFFFFFB0] =	vst v47;
	v45 =	vadd.f32 v45, v20;
	v47 =	vld.idx.msk [tilespmem:v52+s15+$0x0], $0xffff  }
0x148: {  	v60 =	vor.u32 v3, v22;
	v24 =	vadd.f32 v24, v36;
	v43 =	vld.idx.msk [tilespmem:v43+s15+$0x0], $0xffff  }
0x149: {  	v61 =	vor.u32 v33, v26;
	v28 =	vadd.f32 v28, v27;
	v44 =	vld.idx.msk [tilespmem:v44+s15+$0x0], $0xffff;
	[tilespmem:s28+$0x0] =	vst v45  }
0x14a: {  	v48 =	vor.u32 v3, v26;
	[tilespmem:s29+$0x30] =	vst v24;
	v62 =	vld.idx.msk [tilespmem:v63+s15+$0x0], $0xffff  }
0x14b: {  	[tilespmem:s29+$0xFFFFFF30] =	vst v28;
	v28 =	vor.u32 v9, v21;
	v49 =	vld.idx.msk [tilespmem:v58+s15+$0x0], $0xffff  }
0x14c: {  	v50 =	vor.u32 v13, v40;
	v46 =	vld.idx.msk [tilespmem:v46+s15+$0x0], $0xffff  }
0x14d: {  	s31 =	simm.s32 $0xA;
	v25 =	vor.u32 v33, v22;
	v37 =	vld.idx.msk [tilespmem:v60+s15+$0x0], $0xffff;
	v51 =	vadd.f32 v59, v23  }
0x14e: {  	v56 =	vor.u32 v13, v39;
	v55 =	vmov s31;
	v24 =	vld.idx.msk [tilespmem:v61+s10+$0x0], $0xffff;
	v43 =	vadd.f32 v43, v34  }
0x14f: {  	v57 =	vor.u32 v13, v35;
	v38 =	vld.idx.msk [tilespmem:v48+s15+$0x0], $0xffff;
	v48 =	vand.u32 $0x7E, v55;
	[tilespmem:s28+$0x80] =	vst v51  }
0x150: {  	v45 =	vor.u32 v13, v30;
	v44 =	vadd.f32 v44, v31;
	v53 =	vld.idx.msk [tilespmem:v28+s15+$0x0], $0xffff;
	[tilespmem:s29+$0xC0] =	vst v43;
	v28 =	vbroadcast v48, $0x0  }
0x151: {  	v61 =	vor.u32 v10, v19;
	v32 =	vld.idx.msk [tilespmem:v50+s15+$0x0], $0xffff;
	v58 =	vadd.f32 v49, v36  }
0x152: {  	v25 =	vld.idx.msk [tilespmem:v25+s10+$0x0], $0xffff;
	[tilespmem:s29+$0xFFFFFFC0] =	vst v44;
	v46 =	vadd.f32 v46, v27;
	v59 =	vor.u32 v33, v28  }
0x153: {  	v63 =	vor.u32 v10, v21;
	v42 =	vadd.f32 v42, v18;
	v44 =	vld.idx.msk [tilespmem:v56+s15+$0x0], $0xffff;
	[tilespmem:s29+$0x40] =	vst v58  }
0x154: {  	v60 =	vor.u32 v14, v40;
	[tilespmem:s29+$0xFFFFFF40] =	vst v46;
	v43 =	vld.idx.msk [tilespmem:v57+s15+$0x0], $0xffff  }
0x155: {  	[tilespmem:s28+$0xFFFFFF90] =	vst v42;
	v54 =	vor.u32 v3, v28;
	v45 =	vld.idx.msk [tilespmem:v45+s15+$0x0], $0xffff;
	v56 =	vadd.f32 v53, v23  }
0x156: {  	v57 =	vor.u32 v10, v29;
	v53 =	vld.idx.msk [tilespmem:v61+s15+$0x0], $0xffff;
	v58 =	vadd.f32 v32, v34  }
0x157: {  	v32 =	vld.idx.msk [tilespmem:v59+s10+$0x0], $0xffff;
	v59 =	vor.u32 v10, v17;
	[tilespmem:s28+$0x90] =	vst v56  }
0x158: {  	v41 =	vadd.f32 v62, v20;
	v62 =	vor.u32 v14, v39;
	v52 =	vld.idx.msk [tilespmem:v63+s15+$0x0], $0xffff;
	[tilespmem:s29+$0xD0] =	vst v58  }
0x159: {  	v47 =	vadd.f32 v47, v16;
	v63 =	vor.u32 v14, v35;
	v48 =	vld.idx.msk [tilespmem:v60+s15+$0x0], $0xffff  }
0x15a: {  	[tilespmem:s28+$0x10] =	vst v41;
	v44 =	vadd.f32 v44, v31;
	v41 =	vld.idx.msk [tilespmem:v54+s15+$0x0], $0xffff;
	v60 =	vor.u32 v14, v30  }
0x15b: {  	[tilespmem:s28+$0xFFFFFF10] =	vst v47;
	v56 =	vor.u32 v11, v21;
	v55 =	vld.idx.msk [tilespmem:v57+s15+$0x0], $0xffff;
	v61 =	vadd.f32 v43, v36  }
0x15c: {  	v51 =	vor.u32 v15, v40;
	[tilespmem:s29+$0xFFFFFFD0] =	vst v44;
	v45 =	vadd.f32 v45, v27;
	v43 =	vld.idx.msk [tilespmem:v59+s15+$0x0], $0xffff  }
0x15d: {  	v46 =	vor.u32 v11, v19;
	v50 =	vld.idx.msk [tilespmem:v62+s15+$0x0], $0xffff;
	[tilespmem:s29+$0x50] =	vst v61;
	v62 =	vadd.f32 v52, v23  }
0x15e: {  	s31 =	simm.s32 $0xB;
	v44 =	vor.u32 v11, v29;
	[tilespmem:s29+$0xFFFFFF50] =	vst v45;
	v52 =	vld.idx.msk [tilespmem:v63+s15+$0x0], $0xffff;
	v57 =	vadd.f32 v48, v34  }
0x15f: {  	v47 =	vadd.f32 v53, v18;
	v45 =	vor.u32 v11, v17;
	v63 =	vmov s31;
	v49 =	vld.idx.msk [tilespmem:v60+s15+$0x0], $0xffff;
	[tilespmem:s28+$0xA0] =	vst v62  }
0x160: {  	s30 =	simm.s32 $0xC;
	v53 =	vor.u32 v15, v39;
	v54 =	vand.u32 $0x7F, v63;
	v48 =	vadd.f32 v55, v20;
	v42 =	vld.idx.msk [tilespmem:v56+s15+$0x0], $0xffff;
	[tilespmem:s29+$0xE0] =	vst v57  }
.LBB2_9:
0x161: {  	p0 =	slt.u32 s30, $0x3C;
	v39 =	vbroadcast v54, $0x0;
	v54 =	vadd.f32 v43, v16;
	[tilespmem:s28+$0xFFFFFFA0] =	vst v47;
	v43 =	vor.u32 v15, v35;
	v47 =	vld.idx.msk [tilespmem:v51+s15+$0x0], $0xffff  }
0x162: {  	v56 =	vadd.f32 v50, v31;
	v46 =	vld.idx.msk [tilespmem:v46+s15+$0x0], $0xffff;
	[tilespmem:s28+$0x20] =	vst v48;
	v48 =	vor.u32 v15, v30;
	v30 =	vmov v17  }
0x163: {  	v51 =	vadd.f32 v52, v36;
	v17 =	vmov v22;
	v50 =	vor.u32 v33, v39;
	[tilespmem:s28+$0xFFFFFF20] =	vst v54;
	v44 =	vld.idx.msk [tilespmem:v44+s15+$0x0], $0xffff  }
0x164: {  	s1 =	sadd.s32 $0x1, s30;
	v40 =	vmovc v19;
	v22 =	vmov s30;
	v52 =	vor.u32 v3, v39;
	v49 =	vadd.f32 v49, v27;
	v45 =	vld.idx.msk [tilespmem:v45+s15+$0x0], $0xffff;
	[tilespmem:s29+$0xFFFFFFE0] =	vst v56  }
0x165: {  	v55 =	vor.u32 v12, v21;
	v19 =	vmovc v26;
	v35 =	vmovc v29;
	v22 =	vand.u32 $0x7C, v22;
	v54 =	vmov s1;
	v53 =	vld.idx.msk [tilespmem:v53+s15+$0x0], $0xffff;
	[tilespmem:s29+$0x60] =	vst v51  }
0x166: {  	v29 =	vor.u32 v12, v40;
	v22 =	vbroadcast v22, $0x0;
	v26 =	vadd.f32 v42, v23;
	[tilespmem:s29+$0xFFFFFF60] =	vst v49;
	v42 =	vld.idx.msk [tilespmem:v43+s15+$0x0], $0xffff  }
0x167: {  	v43 =	vor.u32 v12, v30;
	v49 =	vor.u32 v12, v35;
	v56 =	vadd.f32 v47, v34;
	v48 =	vld.idx.msk [tilespmem:v48+s15+$0x0], $0xffff  }
0x168: {  	v51 =	vor.u32 v9, v17;
	v47 =	vand.u32 $0x7D, v54;
	v46 =	vadd.f32 v46, v18;
	v50 =	vld.idx.msk [tilespmem:v50+s10+$0x0], $0xffff;
	[tilespmem:s28+$0xB0] =	vst v26  }
0x169: {  	v54 =	vor.u32 v33, v22;
	v26 =	vbroadcast v47, $0x0;
	v44 =	vadd.f32 v44, v20;
	v47 =	vld.idx.msk [tilespmem:v52+s15+$0x0], $0xffff;
	[tilespmem:s29+$0xF0] =	vst v56  }
0x16a: {  	v34 =	vmov v23;
	v52 =	vor.u32 v3, v22;
	v45 =	vadd.f32 v45, v16;
	[tilespmem:s28+$0xFFFFFFB0] =	vst v46;
	v46 =	vld.idx.msk [tilespmem:v55+s15+$0x0], $0xffff  }
0x16b: {  	v55 =	vor.u32 v33, v26;
	v56 =	vadd.f32 v53, v31;
	v31 =	vmov v18;
	v29 =	vld.idx.msk [tilespmem:v29+s15+$0x0], $0xffff;
	[tilespmem:s28+$0x30] =	vst v44  }
0x16c: {  	v18 =	vmov v24;
	v44 =	vor.u32 v3, v26;
	v36 =	vadd.f32 v42, v36;
	[tilespmem:s28+$0xFFFFFF30] =	vst v45;
	v45 =	vld.idx.msk [tilespmem:v49+s15+$0x0], $0xffff  }
0x16d: {  	v42 =	vor.u32 v9, v39;
	v24 =	vadd.f32 v48, v27;
	v27 =	vmov v16;
	v43 =	vld.idx.msk [tilespmem:v43+s15+$0x0], $0xffff;
	[tilespmem:s29+$0xFFFFFFF0] =	vst v56  }
0x16e: {  	v53 =	vor.u32 v13, v21;
	v49 =	vor.u32 v13, v40;
	v23 =	vmov v50;
	v48 =	vld.idx.msk [tilespmem:v54+s10+$0x0], $0xffff;
	[tilespmem:s29+$0x70] =	vst v36  }
0x16f: {  	v16 =	vmov v25;
	v36 =	vor.u32 v9, v19;
	v47 =	vadd.f32 v47, v23;
	v50 =	vld.idx.msk [tilespmem:v52+s15+$0x0], $0xffff;
	[tilespmem:s29+$0xFFFFFF70] =	vst v24;
	s29 =	smov.u32 s28  }
0x170: {  	s1 =	sadd.s32 $0x2, s30;
	v54 =	vor.u32 v13, v35;
	v52 =	vor.u32 v9, v28;
	v25 =	vadd.f32 v46, v34;
	s28 =	sadd.s32 $0x200, s28;
	v24 =	vld.idx.msk [tilespmem:v55+s10+$0x0], $0xffff  }
0x171: {  	v46 =	vmov s1;
	v55 =	vadd.f32 v38, v18;
	v38 =	vld.idx.msk [tilespmem:v44+s15+$0x0], $0xffff;
	[tilespmem:s28+$0x80] =	vst v47;
	v44 =	vadd.f32 v29, v31;
	v29 =	vmovc v28  }
0x172: {  	v41 =	vadd.f32 v41, v32;
	v28 =	vand.u32 $0x7E, v46;
	v45 =	vadd.f32 v45, v20;
	v42 =	vld.idx.msk [tilespmem:v42+s15+$0x0], $0xffff;
	[tilespmem:s29+$0xC0] =	vst v25  }
0x173: {  	v56 =	vadd.f32 v37, v16;
	v28 =	vbroadcast v28, $0x0;
	v43 =	vadd.f32 v43, v27;
	[tilespmem:s28+$0xFFFFFF80] =	vst v55;
	v46 =	vld.idx.msk [tilespmem:v53+s15+$0x0], $0xffff  }
0x174: {  	v25 =	vmovc v48;
	v47 =	vld.idx.msk [tilespmem:v36+s15+$0x0], $0xffff;
	[tilespmem:s28+$0x0] =	vst v41;
	v41 =	vor.u32 v13, v30;
	v36 =	vmov v20;
	v20 =	vmov v32  }
0x175: {  	v32 =	vor.u32 v33, v28;
	v37 =	vmov v50;
	[tilespmem:s28+$0xFFFFFF00] =	vst v56;
	v48 =	vld.idx.msk [tilespmem:v52+s15+$0x0], $0xffff  }
0x176: {  	v50 =	vld.idx.msk [tilespmem:v51+s15+$0x0], $0xffff;
	v51 =	vor.u32 v10, v39;
	[tilespmem:s29+$0xFFFFFFC0] =	vst v44  }
0x177: {  	v44 =	vld.idx.msk [tilespmem:v49+s15+$0x0], $0xffff;
	[tilespmem:s29+$0x40] =	vst v45;
	v45 =	vor.u32 v14, v21  }
0x178: {  	v49 =	vor.u32 v10, v19;
	v42 =	vadd.f32 v42, v23;
	[tilespmem:s29+$0xFFFFFF40] =	vst v43;
	v43 =	vld.idx.msk [tilespmem:v54+s15+$0x0], $0xffff  }
0x179: {  	v52 =	vor.u32 v10, v29;
	v46 =	vadd.f32 v46, v34;
	v41 =	vld.idx.msk [tilespmem:v41+s15+$0x0], $0xffff  }
0x17a: {  	v53 =	vor.u32 v10, v17;
	v47 =	vadd.f32 v47, v18;
	v32 =	vld.idx.msk [tilespmem:v32+s10+$0x0], $0xffff;
	[tilespmem:s28+$0x90] =	vst v42  }
0x17b: {  	v42 =	vadd.f32 v48, v20;
	v48 =	vld.idx.msk [tilespmem:v51+s15+$0x0], $0xffff;
	v51 =	vor.u32 v14, v40;
	[tilespmem:s29+$0xD0] =	vst v46  }
0x17c: {  	v46 =	vadd.f32 v50, v16;
	[tilespmem:s28+$0xFFFFFF90] =	vst v47;
	v47 =	vor.u32 v14, v35;
	v45 =	vld.idx.msk [tilespmem:v45+s15+$0x0], $0xffff  }
0x17d: {  	v44 =	vadd.f32 v44, v31;
	v54 =	vld.idx.msk [tilespmem:v49+s15+$0x0], $0xffff;
	[tilespmem:s28+$0x10] =	vst v42;
	v42 =	vor.u32 v14, v30  }
0x17e: {  	v55 =	vor.u32 v3, v28;
	[tilespmem:s28+$0xFFFFFF10] =	vst v46;
	v56 =	vld.idx.msk [tilespmem:v52+s15+$0x0], $0xffff;
	v46 =	vadd.f32 v43, v36  }
0x17f: {  	v41 =	vadd.f32 v41, v27;
	v43 =	vld.idx.msk [tilespmem:v53+s15+$0x0], $0xffff;
	v53 =	vor.u32 v11, v39;
	[tilespmem:s29+$0xFFFFFFD0] =	vst v44  }
.Ltmp4:
0x180: {  	v50 =	vld.idx.msk [tilespmem:v51+s15+$0x0], $0xffff;
	[tilespmem:s29+$0x50] =	vst v46;
	v51 =	vor.u32 v15, v21;
	v21 =	vmov v39;
	(pc) =	sbr.rel @p0 .LBB2_9-.Ltmp4, $4  }
0x181: {  	v46 =	vor.u32 v11, v19;
	v39 =	vadd.f32 v48, v23;
	[tilespmem:s29+$0xFFFFFF50] =	vst v41;
	v52 =	vld.idx.msk [tilespmem:v47+s15+$0x0], $0xffff  }
0x182: {  	s1 =	sadd.s32 $0x3, s30;
	v44 =	vor.u32 v11, v29;
	v57 =	vadd.f32 v45, v34;
	v49 =	vld.idx.msk [tilespmem:v42+s15+$0x0], $0xffff  }
0x183: {  	v45 =	vor.u32 v11, v17;
	v42 =	vmov s1;
	v47 =	vadd.f32 v54, v18;
	v41 =	vld.idx.msk [tilespmem:v55+s15+$0x0], $0xffff;
	[tilespmem:s28+$0xA0] =	vst v39  }
0x184: {  	s30 =	sadd.s32 $0x4, s30;
	v54 =	vand.u32 $0x7F, v42;
	v48 =	vadd.f32 v56, v20;
	v42 =	vld.idx.msk [tilespmem:v53+s15+$0x0], $0xffff;
	v53 =	vor.u32 v15, v40;
	[tilespmem:s29+$0xE0] =	vst v57  }
0x185: {  	v39 =	vbroadcast v54, $0x0;
	_ =	sdelay $0x1  }
0x186: {  	v33 =	vor.u32 v33, v39  }
0x187: {  	v40 =	vor.u32 v3, v39;
	_ =	sdelay $0x3  }
0x188: {  	v33 =	vld.idx.msk [tilespmem:v33+s10+$0x0], $0xffff  }
0x189: {  	v40 =	vld.idx.msk [tilespmem:v40+s15+$0x0], $0xffff;
	_ =	sdelay $0x2  }
0x18a: {  	v54 =	vor.u32 v9, v39  }
0x18b: {  	v55 =	vor.u32 v9, v26  }
0x18c: {  	v60 =	vor.u32 v9, v28;
	[tilespmem:s28+$0xFFFFFFA0] =	vst v47;
	v40 =	vadd.f32 v40, v33  }
0x18d: {  	v61 =	vor.u32 v9, v22;
	s30 =	sadd.s32 $0x200, s28;
	v38 =	vadd.f32 v38, v24;
	[tilespmem:s28+$0x20] =	vst v48  }
0x18e: {  	v51 =	vld.idx.msk [tilespmem:v51+s15+$0x0], $0xffff;
	v62 =	vadd.f32 v41, v32;
	[tilespmem:s30+$0x80] =	vst v40  }
0x18f: {  	v35 =	vor.u32 v15, v35;
	v37 =	vadd.f32 v37, v25;
	[tilespmem:s30+$0xFFFFFF80] =	vst v38;
	v63 =	vld.idx.msk [tilespmem:v54+s15+$0x0], $0xffff  }
0x190: {  	v50 =	vadd.f32 v50, v31;
	v30 =	vor.u32 v15, v30;
	[tilespmem:s30+$0x0] =	vst v62;
	v54 =	vld.idx.msk [tilespmem:v55+s15+$0x0], $0xffff  }
0x191: {  	v52 =	vadd.f32 v52, v36;
	[tilespmem:s30+$0xFFFFFF00] =	vst v37;
	v55 =	vld.idx.msk [tilespmem:v60+s15+$0x0], $0xffff  }
0x192: {  	[tilespmem:s29+$0xFFFFFFE0] =	vst v50;
	v49 =	vadd.f32 v49, v27;
	v58 =	vor.u32 v10, v39;
	v57 =	vld.idx.msk [tilespmem:v61+s15+$0x0], $0xffff  }
0x193: {  	v53 =	vld.idx.msk [tilespmem:v53+s15+$0x0], $0xffff;
	[tilespmem:s29+$0x60] =	vst v52;
	v34 =	vadd.f32 v51, v34;
	v60 =	vor.u32 v10, v26  }
0x194: {  	[tilespmem:s29+$0xFFFFFF60] =	vst v49;
	v35 =	vld.idx.msk [tilespmem:v35+s15+$0x0], $0xffff;
	v62 =	vor.u32 v10, v28;
	v61 =	vadd.f32 v63, v33  }
0x195: {  	v30 =	vld.idx.msk [tilespmem:v30+s15+$0x0], $0xffff;
	[tilespmem:s29+$0xF0] =	vst v34;
	v63 =	vor.u32 v10, v22;
	v50 =	vadd.f32 v54, v24  }
0x196: {  	v51 =	vadd.f32 v55, v32;
	[tilespmem:s30+$0x90] =	vst v61  }
0x197: {  	v40 =	vadd.f32 v57, v25;
	[tilespmem:s30+$0xFFFFFF90] =	vst v50;
	v52 =	vld.idx.msk [tilespmem:v58+s15+$0x0], $0xffff  }
0x198: {  	v56 =	vadd.f32 v53, v31;
	[tilespmem:s30+$0x10] =	vst v51;
	v54 =	vld.idx.msk [tilespmem:v60+s15+$0x0], $0xffff  }
0x199: {  	v59 =	vadd.f32 v35, v36;
	[tilespmem:s30+$0xFFFFFF10] =	vst v40;
	v31 =	vld.idx.msk [tilespmem:v62+s15+$0x0], $0xffff  }
0x19a: {  	[tilespmem:s29+$0xFFFFFFF0] =	vst v56;
	v53 =	vadd.f32 v30, v27;
	v56 =	vor.u32 v11, v39;
	v55 =	vld.idx.msk [tilespmem:v63+s15+$0x0], $0xffff  }
0x19b: {  	[tilespmem:s29+$0x70] =	vst v59;
	v59 =	vld.idx.msk [tilespmem:v46+s15+$0x0], $0xffff;
	v57 =	vadd.f32 v43, v16;
	v58 =	vor.u32 v11, v26  }
0x19c: {  	[tilespmem:s29+$0xFFFFFF70] =	vst v53;
	v60 =	vor.u32 v11, v28;
	v37 =	vadd.f32 v52, v33  }
0x19d: {  	[tilespmem:s28+$0xFFFFFF20] =	vst v57;
	v61 =	vld.idx.msk [tilespmem:v44+s15+$0x0], $0xffff;
	v62 =	vor.u32 v11, v22;
	v30 =	vadd.f32 v54, v24  }
0x19e: {  	v49 =	vor.u32 v12, v19;
	v63 =	vld.idx.msk [tilespmem:v45+s15+$0x0], $0xffff;
	v31 =	vadd.f32 v31, v32;
	[tilespmem:s30+$0xA0] =	vst v37  }
0x19f: {  	v48 =	vor.u32 v12, v21;
	v27 =	vadd.f32 v55, v25;
	[tilespmem:s30+$0xFFFFFFA0] =	vst v30;
	v34 =	vld.idx.msk [tilespmem:v56+s15+$0x0], $0xffff  }
0x1a0: {  	v38 =	vadd.f32 v59, v18;
	v51 =	vor.u32 v12, v29;
	[tilespmem:s30+$0x20] =	vst v31;
	v36 =	vld.idx.msk [tilespmem:v58+s15+$0x0], $0xffff  }
0x1a1: {  	v50 =	vadd.f32 v42, v23;
	v52 =	vor.u32 v12, v17;
	v53 =	vld.idx.msk [tilespmem:v60+s15+$0x0], $0xffff;
	[tilespmem:s30+$0xFFFFFF20] =	vst v27  }
0x1a2: {  	[tilespmem:s28+$0xFFFFFFB0] =	vst v38;
	v54 =	vadd.f32 v61, v20;
	v56 =	vor.u32 v12, v39;
	v55 =	vld.idx.msk [tilespmem:v62+s15+$0x0], $0xffff  }
0x1a3: {  	v59 =	vor.u32 v12, v26;
	[tilespmem:s28+$0xB0] =	vst v50;
	v57 =	vadd.f32 v63, v16;
	v37 =	vld.idx.msk [tilespmem:v49+s15+$0x0], $0xffff  }
0x1a4: {  	v61 =	vor.u32 v12, v28;
	[tilespmem:s28+$0x30] =	vst v54;
	v58 =	vld.idx.msk [tilespmem:v48+s15+$0x0], $0xffff;
	v60 =	vadd.f32 v34, v33  }
0x1a5: {  	v63 =	vor.u32 v12, v22;
	[tilespmem:s28+$0xFFFFFF30] =	vst v57;
	v62 =	vld.idx.msk [tilespmem:v51+s15+$0x0], $0xffff;
	v36 =	vadd.f32 v36, v24  }
0x1a6: {  	v49 =	vor.u32 v13, v19;
	v31 =	vld.idx.msk [tilespmem:v52+s15+$0x0], $0xffff;
	v27 =	vadd.f32 v53, v32;
	[tilespmem:s30+$0xB0] =	vst v60  }
0x1a7: {  	v48 =	vor.u32 v13, v21;
	v35 =	vadd.f32 v55, v25;
	[tilespmem:s30+$0xFFFFFFB0] =	vst v36;
	v50 =	vld.idx.msk [tilespmem:v56+s15+$0x0], $0xffff  }
0x1a8: {  	v51 =	vor.u32 v13, v29;
	v52 =	vadd.f32 v37, v18;
	[tilespmem:s30+$0x30] =	vst v27;
	v43 =	vld.idx.msk [tilespmem:v59+s15+$0x0], $0xffff  }
0x1a9: {  	v38 =	vadd.f32 v58, v23;
	v53 =	vor.u32 v13, v17;
	v34 =	vld.idx.msk [tilespmem:v61+s15+$0x0], $0xffff;
	[tilespmem:s30+$0xFFFFFF30] =	vst v35  }
0x1aa: {  	[tilespmem:s28+$0xFFFFFFC0] =	vst v52;
	v54 =	vadd.f32 v62, v20;
	v56 =	vor.u32 v13, v39;
	v55 =	vld.idx.msk [tilespmem:v63+s15+$0x0], $0xffff  }
0x1ab: {  	v58 =	vor.u32 v13, v26;
	[tilespmem:s28+$0xC0] =	vst v38;
	v31 =	vadd.f32 v31, v16;
	v30 =	vld.idx.msk [tilespmem:v49+s15+$0x0], $0xffff  }
0x1ac: {  	v57 =	vld.idx.msk [tilespmem:v48+s15+$0x0], $0xffff;
	v59 =	vor.u32 v13, v28;
	[tilespmem:s28+$0x40] =	vst v54;
	v36 =	vadd.f32 v50, v33  }
0x1ad: {  	v62 =	vor.u32 v13, v22;
	[tilespmem:s28+$0xFFFFFF40] =	vst v31;
	v60 =	vld.idx.msk [tilespmem:v51+s15+$0x0], $0xffff;
	v61 =	vadd.f32 v43, v24  }
0x1ae: {  	v48 =	vor.u32 v14, v19;
	v37 =	vld.idx.msk [tilespmem:v53+s15+$0x0], $0xffff;
	v34 =	vadd.f32 v34, v32;
	[tilespmem:s30+$0xC0] =	vst v36  }
0x1af: {  	v63 =	vor.u32 v14, v21;
	v38 =	vadd.f32 v55, v25;
	[tilespmem:s30+$0xFFFFFFC0] =	vst v61;
	v41 =	vld.idx.msk [tilespmem:v56+s15+$0x0], $0xffff  }
0x1b0: {  	v30 =	vadd.f32 v30, v18;
	v50 =	vor.u32 v14, v29;
	[tilespmem:s30+$0x40] =	vst v34;
	v27 =	vld.idx.msk [tilespmem:v58+s15+$0x0], $0xffff  }
0x1b1: {  	v51 =	vor.u32 v14, v17;
	v49 =	vadd.f32 v57, v23;
	v35 =	vld.idx.msk [tilespmem:v59+s15+$0x0], $0xffff;
	[tilespmem:s30+$0xFFFFFF40] =	vst v38  }
0x1b2: {  	v52 =	vor.u32 v14, v39;
	[tilespmem:s28+$0xFFFFFFD0] =	vst v30;
	v31 =	vadd.f32 v60, v20;
	v53 =	vld.idx.msk [tilespmem:v62+s15+$0x0], $0xffff  }
0x1b3: {  	[tilespmem:s28+$0xD0] =	vst v49;
	v37 =	vadd.f32 v37, v16;
	v55 =	vor.u32 v14, v26;
	v36 =	vld.idx.msk [tilespmem:v48+s15+$0x0], $0xffff  }
0x1b4: {  	v57 =	vor.u32 v14, v28;
	v54 =	vld.idx.msk [tilespmem:v63+s15+$0x0], $0xffff;
	[tilespmem:s28+$0x50] =	vst v31;
	v56 =	vadd.f32 v41, v33  }
0x1b5: {  	v59 =	vor.u32 v14, v22;
	[tilespmem:s28+$0xFFFFFF50] =	vst v37;
	v58 =	vld.idx.msk [tilespmem:v50+s15+$0x0], $0xffff;
	v27 =	vadd.f32 v27, v24  }
0x1b6: {  	v34 =	vld.idx.msk [tilespmem:v51+s15+$0x0], $0xffff;
	v62 =	vor.u32 v15, v19;
	v61 =	vadd.f32 v35, v32;
	[tilespmem:s30+$0xD0] =	vst v56  }
0x1b7: {  	v60 =	vor.u32 v15, v21;
	v44 =	vadd.f32 v53, v25;
	[tilespmem:s30+$0xFFFFFFD0] =	vst v27;
	v63 =	vld.idx.msk [tilespmem:v52+s15+$0x0], $0xffff  }
0x1b8: {  	v46 =	vor.u32 v15, v29;
	v47 =	vadd.f32 v36, v18;
	[tilespmem:s30+$0x50] =	vst v61;
	v30 =	vld.idx.msk [tilespmem:v55+s15+$0x0], $0xffff  }
0x1b9: {  	v17 =	vor.u32 v15, v17;
	v45 =	vadd.f32 v54, v23;
	v48 =	vld.idx.msk [tilespmem:v57+s15+$0x0], $0xffff;
	[tilespmem:s30+$0xFFFFFF50] =	vst v44  }
0x1ba: {  	v50 =	vor.u32 v15, v39;
	[tilespmem:s28+$0xFFFFFFE0] =	vst v47;
	v49 =	vadd.f32 v58, v20;
	v38 =	vld.idx.msk [tilespmem:v59+s15+$0x0], $0xffff  }
0x1bb: {  	v51 =	vor.u32 v15, v26;
	[tilespmem:s28+$0xE0] =	vst v45;
	v34 =	vadd.f32 v34, v16;
	v19 =	vld.idx.msk [tilespmem:v62+s15+$0x0], $0xffff  }
0x1bc: {  	v53 =	vor.u32 v15, v28;
	v21 =	vld.idx.msk [tilespmem:v60+s15+$0x0], $0xffff;
	[tilespmem:s28+$0x60] =	vst v49;
	v52 =	vadd.f32 v63, v33  }
0x1bd: {  	v54 =	vor.u32 v15, v22;
	[tilespmem:s28+$0xFFFFFF60] =	vst v34;
	v29 =	vld.idx.msk [tilespmem:v46+s15+$0x0], $0xffff;
	v30 =	vadd.f32 v30, v24  }
0x1be: {  	v17 =	vld.idx.msk [tilespmem:v17+s15+$0x0], $0xffff;
	v55 =	vadd.f32 v48, v32;
	[tilespmem:s30+$0xE0] =	vst v52  }
0x1bf: {  	v57 =	vadd.f32 v38, v25;
	[tilespmem:s30+$0xFFFFFFE0] =	vst v30;
	v56 =	vld.idx.msk [tilespmem:v50+s15+$0x0], $0xffff  }
0x1c0: {  	v59 =	vadd.f32 v19, v18;
	[tilespmem:s30+$0x60] =	vst v55;
	v58 =	vld.idx.msk [tilespmem:v51+s15+$0x0], $0xffff  }
0x1c1: {  	v21 =	vadd.f32 v21, v23;
	v60 =	vld.idx.msk [tilespmem:v53+s15+$0x0], $0xffff;
	[tilespmem:s30+$0xFFFFFF60] =	vst v57  }
0x1c2: {  	[tilespmem:s28+$0xFFFFFFF0] =	vst v59;
	v61 =	vadd.f32 v29, v20;
	v62 =	vld.idx.msk [tilespmem:v54+s15+$0x0], $0xffff  }
0x1c3: {  	[tilespmem:s28+$0xF0] =	vst v21;
	v16 =	vadd.f32 v17, v16  }
0x1c4: {  	s25 =	sadd.s32 $0x1, s25;
	[tilespmem:s28+$0x70] =	vst v61;
	v17 =	vadd.f32 v56, v33  }
0x1c5: {  	p0 =	sne.s32 s25, $0x64;
	[tilespmem:s28+$0xFFFFFF70] =	vst v16;
	v16 =	vadd.f32 v58, v24  }
.Ltmp5:
0x1c6: {  	s1 =	sshll.u32 s26, $0x12;
	[tilespmem:s30+$0xF0] =	vst v17;
	v17 =	vadd.f32 v60, v32;
	(pc) =	sbr.rel @p0 .LBB2_2-.Ltmp5, $4  }
0x1c7: {  	s1 =	sor.u32 s7, s1;
	v63 =	vadd.f32 v62, v25;
	[tilespmem:s30+$0xFFFFFFF0] =	vst v16  }
0x1c8: {  	s1 =	sshrl.u32 s1, $0x3;
	[tilespmem:s30+$0x70] =	vst v17  }
0x1c9: {  	s1 =	sadd.s32 s2, s1;
	[tilespmem:s30+$0xFFFFFF70] =	vst v63  }
0x1ca: {  	[hbm4b:s1+s17] =	stream.strided.scatter [tilespmem:s22], [sflag:$0x4], $0x2000, s18, s17, $0x38;
	[tilespmem:$0x18900] =	vst v63  }
0x1cb: {  	s24 =	sadd.s32 $0x1, s24  }
0x1cc: {  	_ =	swait.ge [sflag:s23], $0x2000;
	p0 =	sne.s32 s24, s8  }
.Ltmp6:
0x1cd: {  	[sflag:s23] =	ssyncset.done $0x0;
	(pc) =	sbr.rel @p0 .LBB2_1-.Ltmp6, $4  }
0x1ce: {  	[sflag:s23] =	ssyncadd.s32 $0xFFFFE000  }
0x1cf: {  	_ =	swait.ge [sflag:s21], $0x2000  }
0x1d0: {  	[sflag:s21] =	ssyncset.done $0x0  }
0x1d1: {  	[sflag:s21] =	ssyncadd.s32 $0xFFFFE000  }
0x1d2: {  	_ =	sfence.sel $0x180000  }
0x1d3: {  	[bflag:$0x0] =	sbarrier.arrive $0xFFFF  }
0x1d4: {  	_ =	strace $0x90000047  }
0x1d5: {  	[bflag:$0x2] =	sbarrier.arrive $0xFFFF  }
0x1d6: {  	p0 =	sne.s32 s0, $0x0;
	s0 =	rddreg [dreg:$0x2]  }
0x1d7: {  	s0 =	sadd.s32 @!p0 $0x100000, s0  }
0x1d8: {  	[sflag:s0] =	ssyncadd.tile.s32 @!p0 $0x1;
	_ =	shalt  }
.Lfunc_end2:
_tile_overlayer_lowered:
.L_overlay_start_2:
0x1d9: {  	(tag) =	ssettag $0x2  }
0x1da: {  	s0 =	rddreg [dreg:$0x0];
	s2 =	stileid.u32  }
0x1db: {  	s1 =	rddreg [dreg:$0x1];
	p0 =	sne.s32 s2, $0x0  }
0x1dc: {  	s3 =	rddreg [dreg:$0x2];
	[bflag:$0x3] =	sbarrier.arrive $0xFFFF;
	s2 =	simm.s32 @!p0 $0x1C05  }
0x1dd: {  	[timem:s3], [sflag:s2] =	dma.local @!p0 [hbm:s0], s1  }
0x1de: {  	s0 =	simm.s32 @!p0 $0x5  }
0x1df: {  	_ =	swait.ge @!p0 [sflag:s0], s1  }
0x1e0: {  	s1 =	ssub.s32 @!p0 $0x0, s1;
	[sflag:s0] =	ssyncset.done @!p0 $0x0  }
0x1e1: {  	[sflag:s0] =	ssyncadd.s32 @!p0 s1  }
0x1e2: {  	[bflag:$0x3] =	sbarrier.arrive $0xFFFF  }
0x1e3: {  	_ =	shalt  }

</sc_bundles>
